<compile_context>
chip_gen: v7x
topology: tpu7x:2x2x1
jax: 0.10.2.dev20260603
libtpu: 0.0.44.dev20260713+nightly
codegen_flags: <defaults>
</compile_context>

<pallas_src>
import functools

import jax
import jax.numpy as jnp
from jax import lax
from jax.experimental import pallas as pl
from jax.experimental.pallas import tpu as pltpu
from jax.experimental.pallas import tpu_sc as plsc

_N_E = 8192
_E_DIM = 32
_N_TOK = 4096
_T = 256

_NW = 32
_ROWS_PW = _N_TOK // _NW
_BANDS_PW = _ROWS_PW // 8


def _vq_body(write_oh, *refs):
    if write_oh:
        (z_ref, w_ref, cols_ref, oh_ref, zq_ref, idx_ref, idxf_ref, loss_ref,
         perp_ref, counts, ww_s, ssq) = refs
    else:
        (z_ref, w_ref, cols_ref, zq_ref, idx_ref, idxf_ref, loss_ref,
         perp_ref, counts, ww_s, ssq) = refs
    t = pl.program_id(0)
    nsteps = pl.num_programs(0)

    z = z_ref[...]
    w = w_ref[...]
    z2bf = (z + z).astype(jnp.bfloat16)
    wbf = w.astype(jnp.bfloat16)

    @pl.when(t == 0)
    def _init():
        counts[...] = jnp.zeros((1, _N_E), jnp.float32)
        ww_s[...] = jnp.sum(w * w, axis=1)[None, :]
        ssq[0] = 0.0

    mm2 = lax.dot_general(z2bf, wbf, (((1,), (1,)), ((), ())),
                          preferred_element_type=jnp.float32)

    zsq = z * z
    zz = zsq[:, 0:1]
    for k in range(1, _E_DIM):
        zz = zz + zsq[:, k:k + 1]

    d = (zz + ww_s[...]) - mm2

    dmin = jnp.min(d, axis=1, keepdims=True)
    cols = cols_ref[...]
    idxf = jnp.min(jnp.where(d == dmin, cols, jnp.float32(3e38)),
                   axis=1, keepdims=True)
    idx = idxf.astype(jnp.int32)
    oh = (cols == idxf).astype(jnp.float32)
    ohbf = oh.astype(jnp.bfloat16)

    if write_oh:
        oh_ref[...] = oh
    idx_ref[...] = idx
    idxf_ref[...] = idx[:, 0]

    zq = lax.dot_general(ohbf, wbf, (((1,), (0,)), ((), ())),
                         preferred_element_type=jnp.float32)
    err = zq - z
    zq_ref[...] = z + err

    ones_row = jnp.ones((1, _T), jnp.bfloat16)
    counts[...] += lax.dot_general(ones_row, ohbf, (((1,), (0,)), ((), ())),
                                   preferred_element_type=jnp.float32)
    ssq[0] += jnp.sum(err * err)

    @pl.when(t == nsteps - 1)
    def _fini():
        m = ssq[0] * (1.0 / (_N_TOK * _E_DIM))
        loss_ref[0, 0] = m + 0.25 * m
        p = counts[...] * (1.0 / _N_TOK)
        ent = jnp.sum(p * jnp.log(p + 1e-10))
        perp_ref[0, 0] = jnp.exp(-ent)


def _vq_pass(z2d, w, cols, write_oh):
    grid = _N_TOK // _T
    out_specs = [
        pl.BlockSpec((_T, _E_DIM), lambda t: (t, 0)),
        pl.BlockSpec((_T, 1), lambda t: (t, 0)),
        pl.BlockSpec((_T,), lambda t: (t,)),
        pl.BlockSpec(memory_space=pltpu.SMEM),
        pl.BlockSpec(memory_space=pltpu.SMEM),
    ]
    out_shape = [
        jax.ShapeDtypeStruct((_N_TOK, _E_DIM), jnp.float32),
        jax.ShapeDtypeStruct((_N_TOK, 1), jnp.int32),
        jax.ShapeDtypeStruct((_N_TOK,), jnp.int32),
        jax.ShapeDtypeStruct((1, 1), jnp.float32),
        jax.ShapeDtypeStruct((1, 1), jnp.float32),
    ]
    if write_oh:
        out_specs.insert(0, pl.BlockSpec((_T, _N_E), lambda t: (t, 0)))
        out_shape.insert(0, jax.ShapeDtypeStruct((_N_TOK, _N_E), jnp.float32))
    return pl.pallas_call(
        functools.partial(_vq_body, write_oh),
        grid=(grid,),
        in_specs=[
            pl.BlockSpec((_T, _E_DIM), lambda t: (t, 0)),
            pl.BlockSpec((_N_E, _E_DIM), lambda t: (0, 0)),
            pl.BlockSpec((1, _N_E), lambda t: (0, 0)),
        ],
        out_specs=out_specs,
        out_shape=out_shape,
        scratch_shapes=[
            pltpu.VMEM((1, _N_E), jnp.float32),
            pltpu.VMEM((1, _N_E), jnp.float32),
            pltpu.SMEM((1,), jnp.float32),
        ],
    )(z2d, w, cols)


def _sc_onehot(idx_flat):
    mesh = plsc.VectorSubcoreMesh(core_axis_name="c", subcore_axis_name="s")

    @functools.partial(
        pl.kernel, mesh=mesh,
        compiler_params=pltpu.CompilerParams(use_tc_tiling_on_sc=True,
                                             needs_layout_passes=False),
        out_type=jax.ShapeDtypeStruct((_N_TOK, _N_E), jnp.float32),
        scratch_types=[
            pltpu.VMEM((8, _N_E), jnp.float32),
            pltpu.VMEM((144,), jnp.int32),
        ],
    )
    def k(idx_hbm, oh_hbm, band_v, idx_v):
        wid = lax.axis_index("s") * 2 + lax.axis_index("c")
        base = wid * _ROWS_PW

        pltpu.sync_copy(idx_hbm.at[pl.ds(base, _ROWS_PW)],
                        idx_v.at[pl.ds(0, _ROWS_PW)])

        zv = jnp.zeros((16,), jnp.float32)
        for r in range(8):
            def zbody(i, _, r=r):
                band_v[r, pl.ds(i * 16, 16)] = zv
                return ()
            lax.fori_loop(0, _N_E // 16, zbody, ())

        lanes = lax.iota(jnp.int32, 16)
        msk = lanes < 8
        ones = jnp.ones((16,), jnp.float32)

        def body(g, _):
            cols = idx_v[pl.ds(g * 8, 16)]
            plsc.store_scatter(band_v, [lanes, cols], ones, mask=msk)
            pltpu.sync_copy(band_v, oh_hbm.at[pl.ds(base + g * 8, 8)])
            plsc.store_scatter(band_v, [lanes, cols], zv, mask=msk)
            return ()
        lax.fori_loop(0, _BANDS_PW, body, ())

    return k(idx_flat)


def kernel(z_list, embedding_w, embedding_z_w):
    z0 = jnp.transpose(z_list[0], (0, 2, 3, 1)).reshape(-1, _E_DIM)
    z1 = jnp.transpose(z_list[1], (0, 2, 3, 1)).reshape(-1, _E_DIM)

    cols = jnp.arange(_N_E, dtype=jnp.float32)[None, :]

    zq1f, idx1, idxf1, loss1, perp1 = _vq_pass(z1, embedding_w, cols, False)
    oh1 = _sc_onehot(idxf1)
    oh0, zq0f, idx0, _idxf0, loss0, perp0 = _vq_pass(z0, embedding_z_w, cols,
                                                     True)

    shp = (z_list.shape[1], z_list.shape[3], z_list.shape[4], _E_DIM)
    zq0 = jnp.transpose(zq0f.reshape(shp), (0, 3, 1, 2))
    zq1 = jnp.transpose(zq1f.reshape(shp), (0, 3, 1, 2))

    total_loss = (loss0[0, 0] + loss1[0, 0])
    total_perp = (perp0[0, 0] + perp1[0, 0]) / 2

    return (total_loss, zq0, zq1, total_perp, oh0, oh1, idx0, idx1)

# --- scband reference (transcript-rebuilt; emitter-appended) ---
"""Pipeline reference for scband-vector-quantizer-29429115912768 (READ-ONLY COPY).

The authoritative reference and input builder live on the scoring server;
editing this copy changes nothing except your own understanding.
"""

import jax, jax.numpy as jnp
import numpy as np

N_E = 8192
E_DIM = 32
BETA = 0.25


def setup_inputs(seed: int = 0) -> dict:
    key = jax.random.key(seed)
    k1, k2, k3 = jax.random.split(key, 3)
    z_list = jax.random.normal(k1, (2, 4, E_DIM, 32, 32), dtype=jnp.float32)
    embedding_w = jax.random.uniform(k2, (N_E, E_DIM), minval=-1.0 / N_E, maxval=1.0 / N_E, dtype=jnp.float32)
    embedding_z_w = jax.random.uniform(k3, (N_E, E_DIM), minval=-1.0 / N_E, maxval=1.0 / N_E, dtype=jnp.float32)
    return {"z_list": z_list, "embedding_w": embedding_w, "embedding_z_w": embedding_z_w}


def reference(z_list, embedding_w, embedding_z_w):
    sg = jax.lax.stop_gradient
    total_embedding_loss = None
    total_perplexity = None
    z_q_list = []
    min_encoding_list = []
    min_encoding_indices_list = []
    n = z_list.shape[0]
    for i in range(n):
        z = jnp.transpose(z_list[i], (0, 2, 3, 1))  # [B, H, W, e_dim]
        z_flattened = z.reshape(-1, E_DIM)
        w = embedding_z_w if i == 0 else embedding_w
        d = (jnp.sum(z_flattened ** 2, axis=1, keepdims=True)
             + jnp.sum(w ** 2, axis=1)
             - 2.0 * jnp.matmul(z_flattened, w.T))
        min_encoding_indices = jnp.argmin(d, axis=1)[:, None]  # [N, 1]
        min_encodings = jax.nn.one_hot(min_encoding_indices[:, 0], N_E, dtype=jnp.float32)
        z_q = jnp.matmul(min_encodings, w).reshape(z.shape)
        loss = jnp.mean((sg(z_q) - z) ** 2) + BETA * jnp.mean((z_q - sg(z)) ** 2)
        z_q = z + sg(z_q - z)
        e_mean = jnp.mean(min_encodings, axis=0)
        perplexity = jnp.exp(-jnp.sum(e_mean * jnp.log(e_mean + 1e-10)))
        z_q = jnp.transpose(z_q, (0, 3, 1, 2))
        z_q_list.append(z_q)
        min_encoding_list.append(min_encodings)
        min_encoding_indices_list.append(min_encoding_indices)
        if i == 0:
            total_embedding_loss = loss
            total_perplexity = perplexity
        else:
            total_embedding_loss = total_embedding_loss + loss
            total_perplexity = total_perplexity + perplexity
    return (total_embedding_loss,
            z_q_list[0], z_q_list[1],
            total_perplexity / n,
            min_encoding_list[0], min_encoding_list[1],
            min_encoding_indices_list[0], min_encoding_indices_list[1])

if __name__ == "__main__":
    import jax
    _d = setup_inputs()
    print(jax.jit(kernel)(*tuple(_d.values())))

</pallas_src>

<mosaic_0001>
#map = affine_map<(d0, d1) -> (0)>
#map1 = affine_map<(d0, d1) -> (0, 0)>
module attributes {stable_mosaic.version = 14 : i64} {
  func.func @k(%arg0: i32, %arg1: i32, %arg2: memref<4096xi32, #tpu.memory_space<hbm>>, %arg3: memref<4096x8192xf32, #tpu.memory_space<hbm>>, %arg4: memref<8x8192xf32, #tpu.memory_space<vmem>>, %arg5: memref<144xi32, #tpu.memory_space<vmem>>) attributes {dimension_semantics = [#tpu.dimension_semantics<core_parallel>, #tpu.dimension_semantics<subcore_parallel>], iteration_bounds = array<i64: 2, 16>, scalar_prefetch = 0 : i64, scratch_operands = 2 : i64, tpu.core_type = #tpu.core_type<sc_vector_subcore>, window_params = [{transform_indices = #map}, {transform_indices = #map1}]} {
    %mul3A = arith.constant 2 : i32
    %mul3A_0 = arith.muli %arg1, %mul3A : i32
    %add3A = arith.addi %mul3A_0, %arg0 : i32
    %mul3A_1 = arith.constant 128 : i32
    %mul3A_2 = arith.muli %add3A, %mul3A_1 : i32
    "tpu.region"() ({
      %run_scoped3A = tpu.sem_alloc : memref<!tpu.dma_semaphore, #tpu.memory_space<semaphore_mem>>
      %dma_start3A = arith.constant 0 : i32
      %dma_start3A_52 = tpu.memref_slice %arg5[%dma_start3A] : memref<144xi32, #tpu.memory_space<vmem>> -> memref<128xi32, #tpu.memory_space<vmem>>
      %dma_start3A_53 = tpu.memref_slice %arg2[%mul3A_2] : memref<4096xi32, #tpu.memory_space<hbm>> -> memref<128xi32, #tpu.memory_space<hbm>>
      %dma_start3A_54 = arith.constant 0 : i32
      %dma_start3A_55 = tpu.memref_slice %arg5[%dma_start3A_54] : memref<144xi32, #tpu.memory_space<vmem>> -> memref<128xi32, #tpu.memory_space<vmem>>
      %dma_start3A_56 = tpu.memref_slice %arg2[%mul3A_2] : memref<4096xi32, #tpu.memory_space<hbm>> -> memref<128xi32, #tpu.memory_space<hbm>>
      tpu.enqueue_dma source(%dma_start3A_56 : memref<128xi32, #tpu.memory_space<hbm>>) target(%dma_start3A_55 : memref<128xi32, #tpu.memory_space<vmem>>) target_semaphore(%run_scoped3A : memref<!tpu.dma_semaphore, #tpu.memory_space<semaphore_mem>>)
      %dma_wait3A = arith.constant 0 : i32
      %dma_wait3A_57 = tpu.memref_slice %arg5[%dma_wait3A] : memref<144xi32, #tpu.memory_space<vmem>> -> memref<128xi32, #tpu.memory_space<vmem>>
      %dma_wait3A_58 = tpu.memref_slice %arg2[%mul3A_2] : memref<4096xi32, #tpu.memory_space<hbm>> -> memref<128xi32, #tpu.memory_space<hbm>>
      %dma_wait3A_59 = arith.constant 0 : i32
      %dma_wait3A_60 = tpu.memref_slice %arg5[%dma_wait3A_59] : memref<144xi32, #tpu.memory_space<vmem>> -> memref<128xi32, #tpu.memory_space<vmem>>
      %dma_wait3A_61 = tpu.memref_slice %arg2[%mul3A_2] : memref<4096xi32, #tpu.memory_space<hbm>> -> memref<128xi32, #tpu.memory_space<hbm>>
      tpu.wait_dma2 semaphore(%run_scoped3A : memref<!tpu.dma_semaphore, #tpu.memory_space<semaphore_mem>>) src(%dma_wait3A_61 : memref<128xi32, #tpu.memory_space<hbm>>) dst(%dma_wait3A_60 : memref<128xi32, #tpu.memory_space<vmem>>)
      tpu.yield
    }) : () -> ()
    %broadcast_in_dim3A = arith.constant 0.000000e+00 : f32
    %broadcast_in_dim3A_3 = vector.broadcast %broadcast_in_dim3A : f32 to vector<16xf32>
    %scan3A = arith.constant 0 : i32
    %scan3A_4 = arith.constant 512 : i32
    %scan3A_5 = arith.addi %scan3A, %scan3A_4 : i32
    %scan3A_6 = arith.constant 1 : i32
    scf.for %scan3A_52 = %scan3A to %scan3A_5 step %scan3A_6  : i32 {
      %mul3A_53 = arith.constant 16 : i32
      %mul3A_54 = arith.muli %scan3A_52, %mul3A_53 : i32
      %swap3A = arith.constant 0 : i32
      %swap3A_55 = arith.index_cast %swap3A : i32 to index
      %swap3A_56 = arith.index_cast %mul3A_54 : i32 to index
      %swap3A_57 = tpu.vector_load %arg4[%swap3A_55, %swap3A_56] {strides = array<i32>} : memref<8x8192xf32, #tpu.memory_space<vmem>>, vector<16xf32>,
      tpu.vector_store %arg4[%swap3A_55, %swap3A_56], %broadcast_in_dim3A_3 {strides = array<i32>} : memref<8x8192xf32, #tpu.memory_space<vmem>>, vector<16xf32>,
    }
    %scan3A_7 = arith.constant 512 : i32
    %scan3A_8 = arith.constant 0 : i32
    %scan3A_9 = arith.constant 512 : i32
    %scan3A_10 = arith.addi %scan3A_8, %scan3A_9 : i32
    %scan3A_11 = arith.constant 1 : i32
    scf.for %scan3A_52 = %scan3A_8 to %scan3A_10 step %scan3A_11  : i32 {
      %mul3A_53 = arith.constant 16 : i32
      %mul3A_54 = arith.muli %scan3A_52, %mul3A_53 : i32
      %swap3A = arith.constant 1 : i32
      %swap3A_55 = arith.index_cast %swap3A : i32 to index
      %swap3A_56 = arith.index_cast %mul3A_54 : i32 to index
      %swap3A_57 = tpu.vector_load %arg4[%swap3A_55, %swap3A_56] {strides = array<i32>} : memref<8x8192xf32, #tpu.memory_space<vmem>>, vector<16xf32>,
      tpu.vector_store %arg4[%swap3A_55, %swap3A_56], %broadcast_in_dim3A_3 {strides = array<i32>} : memref<8x8192xf32, #tpu.memory_space<vmem>>, vector<16xf32>,
    }
    %scan3A_12 = arith.constant 512 : i32
    %scan3A_13 = arith.constant 0 : i32
    %scan3A_14 = arith.constant 512 : i32
    %scan3A_15 = arith.addi %scan3A_13, %scan3A_14 : i32
    %scan3A_16 = arith.constant 1 : i32
    scf.for %scan3A_52 = %scan3A_13 to %scan3A_15 step %scan3A_16  : i32 {
      %mul3A_53 = arith.constant 16 : i32
      %mul3A_54 = arith.muli %scan3A_52, %mul3A_53 : i32
      %swap3A = arith.constant 2 : i32
      %swap3A_55 = arith.index_cast %swap3A : i32 to index
      %swap3A_56 = arith.index_cast %mul3A_54 : i32 to index
      %swap3A_57 = tpu.vector_load %arg4[%swap3A_55, %swap3A_56] {strides = array<i32>} : memref<8x8192xf32, #tpu.memory_space<vmem>>, vector<16xf32>,
      tpu.vector_store %arg4[%swap3A_55, %swap3A_56], %broadcast_in_dim3A_3 {strides = array<i32>} : memref<8x8192xf32, #tpu.memory_space<vmem>>, vector<16xf32>,
    }
    %scan3A_17 = arith.constant 512 : i32
    %scan3A_18 = arith.constant 0 : i32
    %scan3A_19 = arith.constant 512 : i32
    %scan3A_20 = arith.addi %scan3A_18, %scan3A_19 : i32
    %scan3A_21 = arith.constant 1 : i32
    scf.for %scan3A_52 = %scan3A_18 to %scan3A_20 step %scan3A_21  : i32 {
      %mul3A_53 = arith.constant 16 : i32
      %mul3A_54 = arith.muli %scan3A_52, %mul3A_53 : i32
      %swap3A = arith.constant 3 : i32
      %swap3A_55 = arith.index_cast %swap3A : i32 to index
      %swap3A_56 = arith.index_cast %mul3A_54 : i32 to index
      %swap3A_57 = tpu.vector_load %arg4[%swap3A_55, %swap3A_56] {strides = array<i32>} : memref<8x8192xf32, #tpu.memory_space<vmem>>, vector<16xf32>,
      tpu.vector_store %arg4[%swap3A_55, %swap3A_56], %broadcast_in_dim3A_3 {strides = array<i32>} : memref<8x8192xf32, #tpu.memory_space<vmem>>, vector<16xf32>,
    }
    %scan3A_22 = arith.constant 512 : i32
    %scan3A_23 = arith.constant 0 : i32
    %scan3A_24 = arith.constant 512 : i32
    %scan3A_25 = arith.addi %scan3A_23, %scan3A_24 : i32
    %scan3A_26 = arith.constant 1 : i32
    scf.for %scan3A_52 = %scan3A_23 to %scan3A_25 step %scan3A_26  : i32 {
      %mul3A_53 = arith.constant 16 : i32
      %mul3A_54 = arith.muli %scan3A_52, %mul3A_53 : i32
      %swap3A = arith.constant 4 : i32
      %swap3A_55 = arith.index_cast %swap3A : i32 to index
      %swap3A_56 = arith.index_cast %mul3A_54 : i32 to index
      %swap3A_57 = tpu.vector_load %arg4[%swap3A_55, %swap3A_56] {strides = array<i32>} : memref<8x8192xf32, #tpu.memory_space<vmem>>, vector<16xf32>,
      tpu.vector_store %arg4[%swap3A_55, %swap3A_56], %broadcast_in_dim3A_3 {strides = array<i32>} : memref<8x8192xf32, #tpu.memory_space<vmem>>, vector<16xf32>,
    }
    %scan3A_27 = arith.constant 512 : i32
    %scan3A_28 = arith.constant 0 : i32
    %scan3A_29 = arith.constant 512 : i32
    %scan3A_30 = arith.addi %scan3A_28, %scan3A_29 : i32
    %scan3A_31 = arith.constant 1 : i32
    scf.for %scan3A_52 = %scan3A_28 to %scan3A_30 step %scan3A_31  : i32 {
      %mul3A_53 = arith.constant 16 : i32
      %mul3A_54 = arith.muli %scan3A_52, %mul3A_53 : i32
      %swap3A = arith.constant 5 : i32
      %swap3A_55 = arith.index_cast %swap3A : i32 to index
      %swap3A_56 = arith.index_cast %mul3A_54 : i32 to index
      %swap3A_57 = tpu.vector_load %arg4[%swap3A_55, %swap3A_56] {strides = array<i32>} : memref<8x8192xf32, #tpu.memory_space<vmem>>, vector<16xf32>,
      tpu.vector_store %arg4[%swap3A_55, %swap3A_56], %broadcast_in_dim3A_3 {strides = array<i32>} : memref<8x8192xf32, #tpu.memory_space<vmem>>, vector<16xf32>,
    }
    %scan3A_32 = arith.constant 512 : i32
    %scan3A_33 = arith.constant 0 : i32
    %scan3A_34 = arith.constant 512 : i32
    %scan3A_35 = arith.addi %scan3A_33, %scan3A_34 : i32
    %scan3A_36 = arith.constant 1 : i32
    scf.for %scan3A_52 = %scan3A_33 to %scan3A_35 step %scan3A_36  : i32 {
      %mul3A_53 = arith.constant 16 : i32
      %mul3A_54 = arith.muli %scan3A_52, %mul3A_53 : i32
      %swap3A = arith.constant 6 : i32
      %swap3A_55 = arith.index_cast %swap3A : i32 to index
      %swap3A_56 = arith.index_cast %mul3A_54 : i32 to index
      %swap3A_57 = tpu.vector_load %arg4[%swap3A_55, %swap3A_56] {strides = array<i32>} : memref<8x8192xf32, #tpu.memory_space<vmem>>, vector<16xf32>,
      tpu.vector_store %arg4[%swap3A_55, %swap3A_56], %broadcast_in_dim3A_3 {strides = array<i32>} : memref<8x8192xf32, #tpu.memory_space<vmem>>, vector<16xf32>,
    }
    %scan3A_37 = arith.constant 512 : i32
    %scan3A_38 = arith.constant 0 : i32
    %scan3A_39 = arith.constant 512 : i32
    %scan3A_40 = arith.addi %scan3A_38, %scan3A_39 : i32
    %scan3A_41 = arith.constant 1 : i32
    scf.for %scan3A_52 = %scan3A_38 to %scan3A_40 step %scan3A_41  : i32 {
      %mul3A_53 = arith.constant 16 : i32
      %mul3A_54 = arith.muli %scan3A_52, %mul3A_53 : i32
      %swap3A = arith.constant 7 : i32
      %swap3A_55 = arith.index_cast %swap3A : i32 to index
      %swap3A_56 = arith.index_cast %mul3A_54 : i32 to index
      %swap3A_57 = tpu.vector_load %arg4[%swap3A_55, %swap3A_56] {strides = array<i32>} : memref<8x8192xf32, #tpu.memory_space<vmem>>, vector<16xf32>,
      tpu.vector_store %arg4[%swap3A_55, %swap3A_56], %broadcast_in_dim3A_3 {strides = array<i32>} : memref<8x8192xf32, #tpu.memory_space<vmem>>, vector<16xf32>,
    }
    %scan3A_42 = arith.constant 512 : i32
    %iota3A = tpu.iota {dimensions = array<i32: 0>} : vector<16xi32>
    %lt3A = arith.constant 8 : i32
    %lt3A_43 = vector.broadcast %lt3A : i32 to vector<16xi32>
    %lt3A_44 = arith.cmpi slt, %iota3A, %lt3A_43 : vector<16xi32>
    %broadcast_in_dim3A_45 = arith.constant 1.000000e+00 : f32
    %broadcast_in_dim3A_46 = vector.broadcast %broadcast_in_dim3A_45 : f32 to vector<16xf32>
    %scan3A_47 = arith.constant 0 : i32
    %scan3A_48 = arith.constant 16 : i32
    %scan3A_49 = arith.addi %scan3A_47, %scan3A_48 : i32
    %scan3A_50 = arith.constant 1 : i32
    scf.for %scan3A_52 = %scan3A_47 to %scan3A_49 step %scan3A_50  : i32 {
      %mul3A_53 = arith.constant 8 : i32
      %mul3A_54 = arith.muli %scan3A_52, %mul3A_53 : i32
      %get3A = arith.index_cast %mul3A_54 : i32 to index
      %get3A_55 = tpu.vector_load %arg5[%get3A] {strides = array<i32>} : memref<144xi32, #tpu.memory_space<vmem>>, vector<16xi32>,
      tpu.vector_store_idx %arg4[%iota3A, %get3A_55], %broadcast_in_dim3A_46 masked %lt3A_44 : memref<8x8192xf32, #tpu.memory_space<vmem>>[vector<16xi32>, vector<16xi32>], vector<16xf32>, vector<16xi1>
      %mul3A_56 = arith.constant 8 : i32
      %mul3A_57 = arith.muli %scan3A_52, %mul3A_56 : i32
      %add3A_58 = arith.addi %mul3A_2, %mul3A_57 : i32
      "tpu.region"() ({
        %run_scoped3A = tpu.sem_alloc : memref<!tpu.dma_semaphore, #tpu.memory_space<semaphore_mem>>
        %dma_start3A = arith.constant 0 : i32
        %dma_start3A_59 = tpu.memref_slice %arg3[%add3A_58, %dma_start3A] : memref<4096x8192xf32, #tpu.memory_space<hbm>> -> memref<8x8192xf32, #tpu.memory_space<hbm>>
        %dma_start3A_60 = arith.constant 0 : i32
        %dma_start3A_61 = tpu.memref_slice %arg3[%add3A_58, %dma_start3A_60] : memref<4096x8192xf32, #tpu.memory_space<hbm>> -> memref<8x8192xf32, #tpu.memory_space<hbm>>
        tpu.enqueue_dma source(%arg4 : memref<8x8192xf32, #tpu.memory_space<vmem>>) target(%dma_start3A_61 : memref<8x8192xf32, #tpu.memory_space<hbm>>) target_semaphore(%run_scoped3A : memref<!tpu.dma_semaphore, #tpu.memory_space<semaphore_mem>>)
        %dma_wait3A = arith.constant 0 : i32
        %dma_wait3A_62 = tpu.memref_slice %arg3[%add3A_58, %dma_wait3A] : memref<4096x8192xf32, #tpu.memory_space<hbm>> -> memref<8x8192xf32, #tpu.memory_space<hbm>>
        %dma_wait3A_63 = arith.constant 0 : i32
        %dma_wait3A_64 = tpu.memref_slice %arg3[%add3A_58, %dma_wait3A_63] : memref<4096x8192xf32, #tpu.memory_space<hbm>> -> memref<8x8192xf32, #tpu.memory_space<hbm>>
        tpu.wait_dma2 semaphore(%run_scoped3A : memref<!tpu.dma_semaphore, #tpu.memory_space<semaphore_mem>>) src(%arg4 : memref<8x8192xf32, #tpu.memory_space<vmem>>) dst(%dma_wait3A_64 : memref<8x8192xf32, #tpu.memory_space<hbm>>)
        tpu.yield
      }) : () -> ()
      tpu.vector_store_idx %arg4[%iota3A, %get3A_55], %broadcast_in_dim3A_3 masked %lt3A_44 : memref<8x8192xf32, #tpu.memory_space<vmem>>[vector<16xi32>, vector<16xi32>], vector<16xf32>, vector<16xi1>
    }
    %scan3A_51 = arith.constant 16 : i32
    return
  }
}

module attributes {stable_mosaic.version = 14 : i64} {
  func.func @_vq_body(%arg0: i32, %arg1: memref<256x32xf32, #tpu.memory_space<vmem>>, %arg2: memref<8192x32xf32, #tpu.memory_space<vmem>>, %arg3: memref<1x8192xf32, #tpu.memory_space<vmem>>, %arg4: memref<256x32xf32, #tpu.memory_space<vmem>>, %arg5: memref<256x1xi32, #tpu.memory_space<vmem>>, %arg6: memref<256xi32, #tpu.memory_space<vmem>>, %arg7: memref<1x1xf32, #tpu.memory_space<smem>>, %arg8: memref<1x1xf32, #tpu.memory_space<smem>>, %arg9: memref<1x8192xf32, #tpu.memory_space<vmem>>, %arg10: memref<1x8192xf32, #tpu.memory_space<vmem>>, %arg11: memref<1xf32, #tpu.memory_space<smem>>) attributes {dimension_semantics = [#tpu.dimension_semantics<arbitrary>], iteration_bounds = array<i64: 16>, scalar_prefetch = 0 : i64, scratch_operands = 3 : i64, tpu.core_type = #tpu.core_type<tc>, window_params = [{transform_indices = @transform_0, window_bounds = array<i64: 256, 32>}, {pipeline_mode = #tpu.pipeline_mode<synchronous>, transform_indices = @transform_1, window_bounds = array<i64: 8192, 32>}, {pipeline_mode = #tpu.pipeline_mode<synchronous>, transform_indices = @transform_2, window_bounds = array<i64: 1, 8192>}, {transform_indices = @transform_3, window_bounds = array<i64: 256, 32>}, {transform_indices = @transform_4, window_bounds = array<i64: 256, 1>}, {transform_indices = @transform_5, window_bounds = array<i64: 256>}, {transform_indices = @transform_6, window_bounds = array<i64: 1, 1>}, {transform_indices = @transform_7, window_bounds = array<i64: 1, 1>}]} {
    %get3A = arith.constant 0 : index
    %get3A_0 = arith.constant 0 : index
    %get3A_1 = vector.load %arg1[%get3A, %get3A_0] : memref<256x32xf32, #tpu.memory_space<vmem>>, vector<256x32xf32>
    %get3A_2 = arith.constant 0 : index
    %get3A_3 = arith.constant 0 : index
    %get3A_4 = vector.load %arg2[%get3A_2, %get3A_3] : memref<8192x32xf32, #tpu.memory_space<vmem>>, vector<8192x32xf32>
    %add3A = arith.addf %get3A_1, %get3A_1 : vector<256x32xf32>
    %convert_element_type3A = arith.truncf %add3A : vector<256x32xf32> to vector<256x32xbf16>
    %convert_element_type3A_5 = arith.truncf %get3A_4 : vector<8192x32xf32> to vector<8192x32xbf16>
    %eq3A = arith.constant 0 : i32
    %eq3A_6 = arith.cmpi eq, %arg0, %eq3A : i32
    %convert_element_type3A_7 = arith.extui %eq3A_6 : i1 to i32
    %cond3A = arith.constant 0 : i32
    %cond3A_8 = arith.cmpi ne, %convert_element_type3A_7, %cond3A : i32
    scf.if %cond3A_8 {
      %broadcast_in_dim3A_134 = arith.constant 0.000000e+00 : f32
      %broadcast_in_dim3A_135 = vector.broadcast %broadcast_in_dim3A_134 : f32 to vector<1x8192xf32>
      %swap3A_136 = arith.constant 0 : index
      %swap3A_137 = arith.constant 0 : index
      %swap3A_138 = vector.load %arg9[%swap3A_136, %swap3A_137] : memref<1x8192xf32, #tpu.memory_space<vmem>>, vector<1x8192xf32>
      tpu.vector_store %arg9[%swap3A_136, %swap3A_137], %broadcast_in_dim3A_135 {strides = array<i32>} : memref<1x8192xf32, #tpu.memory_space<vmem>>, vector<1x8192xf32>,
      %mul3A_139 = arith.mulf %get3A_4, %get3A_4 : vector<8192x32xf32>
      %reduce_sum3A_140 = arith.constant dense<0.000000e+00> : vector<8192xf32>
      %reduce_sum3A_141 = vector.multi_reduction <add>, %mul3A_139, %reduce_sum3A_140 [1] : vector<8192x32xf32> to vector<8192xf32>
      %broadcast_in_dim3A_142 = vector.shape_cast %reduce_sum3A_141 : vector<8192xf32> to vector<1x8192xf32>
      %swap3A_143 = arith.constant 0 : index
      %swap3A_144 = arith.constant 0 : index
      %swap3A_145 = vector.load %arg10[%swap3A_143, %swap3A_144] : memref<1x8192xf32, #tpu.memory_space<vmem>>, vector<1x8192xf32>
      tpu.vector_store %arg10[%swap3A_143, %swap3A_144], %broadcast_in_dim3A_142 {strides = array<i32>} : memref<1x8192xf32, #tpu.memory_space<vmem>>, vector<1x8192xf32>,
      %swap3A_146 = arith.constant 0.000000e+00 : f32
      %swap3A_147 = arith.constant 0 : index
      %swap3A_148 = memref.load %arg11[%swap3A_147] : memref<1xf32, #tpu.memory_space<smem>>
      memref.store %swap3A_146, %arg11[%swap3A_147] : memref<1xf32, #tpu.memory_space<smem>>
    } else {
    }
    %dot_general3A = arith.constant dense<0.000000e+00> : vector<256x8192xf32>
    %dot_general3A_9 = tpu.matmul %convert_element_type3A, %convert_element_type3A_5, %dot_general3A {dimension_numbers = #tpu.dot_dimension_numbers<[1], [1], [0], [0], [0, 0, 1, 0], [], []>, transpose_lhs_hint = false} : vector<256x32xbf16>, vector<8192x32xbf16>, vector<256x8192xf32> -> vector<256x8192xf32>
    %mul3A = arith.mulf %get3A_1, %get3A_1 : vector<256x32xf32>
    %slice3A = vector.extract_strided_slice %mul3A {offsets = [0, 0], sizes = [256, 1], strides = [1, 1]} : vector<256x32xf32> to vector<256x1xf32>
    %slice3A_10 = vector.extract_strided_slice %mul3A {offsets = [0, 1], sizes = [256, 1], strides = [1, 1]} : vector<256x32xf32> to vector<256x1xf32>
    %add3A_11 = arith.addf %slice3A, %slice3A_10 : vector<256x1xf32>
    %slice3A_12 = vector.extract_strided_slice %mul3A {offsets = [0, 2], sizes = [256, 1], strides = [1, 1]} : vector<256x32xf32> to vector<256x1xf32>
    %add3A_13 = arith.addf %add3A_11, %slice3A_12 : vector<256x1xf32>
    %slice3A_14 = vector.extract_strided_slice %mul3A {offsets = [0, 3], sizes = [256, 1], strides = [1, 1]} : vector<256x32xf32> to vector<256x1xf32>
    %add3A_15 = arith.addf %add3A_13, %slice3A_14 : vector<256x1xf32>
    %slice3A_16 = vector.extract_strided_slice %mul3A {offsets = [0, 4], sizes = [256, 1], strides = [1, 1]} : vector<256x32xf32> to vector<256x1xf32>
    %add3A_17 = arith.addf %add3A_15, %slice3A_16 : vector<256x1xf32>
    %slice3A_18 = vector.extract_strided_slice %mul3A {offsets = [0, 5], sizes = [256, 1], strides = [1, 1]} : vector<256x32xf32> to vector<256x1xf32>
    %add3A_19 = arith.addf %add3A_17, %slice3A_18 : vector<256x1xf32>
    %slice3A_20 = vector.extract_strided_slice %mul3A {offsets = [0, 6], sizes = [256, 1], strides = [1, 1]} : vector<256x32xf32> to vector<256x1xf32>
    %add3A_21 = arith.addf %add3A_19, %slice3A_20 : vector<256x1xf32>
    %slice3A_22 = vector.extract_strided_slice %mul3A {offsets = [0, 7], sizes = [256, 1], strides = [1, 1]} : vector<256x32xf32> to vector<256x1xf32>
    %add3A_23 = arith.addf %add3A_21, %slice3A_22 : vector<256x1xf32>
    %slice3A_24 = vector.extract_strided_slice %mul3A {offsets = [0, 8], sizes = [256, 1], strides = [1, 1]} : vector<256x32xf32> to vector<256x1xf32>
    %add3A_25 = arith.addf %add3A_23, %slice3A_24 : vector<256x1xf32>
    %slice3A_26 = vector.extract_strided_slice %mul3A {offsets = [0, 9], sizes = [256, 1], strides = [1, 1]} : vector<256x32xf32> to vector<256x1xf32>
    %add3A_27 = arith.addf %add3A_25, %slice3A_26 : vector<256x1xf32>
    %slice3A_28 = vector.extract_strided_slice %mul3A {offsets = [0, 10], sizes = [256, 1], strides = [1, 1]} : vector<256x32xf32> to vector<256x1xf32>
    %add3A_29 = arith.addf %add3A_27, %slice3A_28 : vector<256x1xf32>
    %slice3A_30 = vector.extract_strided_slice %mul3A {offsets = [0, 11], sizes = [256, 1], strides = [1, 1]} : vector<256x32xf32> to vector<256x1xf32>
    %add3A_31 = arith.addf %add3A_29, %slice3A_30 : vector<256x1xf32>
    %slice3A_32 = vector.extract_strided_slice %mul3A {offsets = [0, 12], sizes = [256, 1], strides = [1, 1]} : vector<256x32xf32> to vector<256x1xf32>
    %add3A_33 = arith.addf %add3A_31, %slice3A_32 : vector<256x1xf32>
    %slice3A_34 = vector.extract_strided_slice %mul3A {offsets = [0, 13], sizes = [256, 1], strides = [1, 1]} : vector<256x32xf32> to vector<256x1xf32>
    %add3A_35 = arith.addf %add3A_33, %slice3A_34 : vector<256x1xf32>
    %slice3A_36 = vector.extract_strided_slice %mul3A {offsets = [0, 14], sizes = [256, 1], strides = [1, 1]} : vector<256x32xf32> to vector<256x1xf32>
    %add3A_37 = arith.addf %add3A_35, %slice3A_36 : vector<256x1xf32>
    %slice3A_38 = vector.extract_strided_slice %mul3A {offsets = [0, 15], sizes = [256, 1], strides = [1, 1]} : vector<256x32xf32> to vector<256x1xf32>
    %add3A_39 = arith.addf %add3A_37, %slice3A_38 : vector<256x1xf32>
    %slice3A_40 = vector.extract_strided_slice %mul3A {offsets = [0, 16], sizes = [256, 1], strides = [1, 1]} : vector<256x32xf32> to vector<256x1xf32>
    %add3A_41 = arith.addf %add3A_39, %slice3A_40 : vector<256x1xf32>
    %slice3A_42 = vector.extract_strided_slice %mul3A {offsets = [0, 17], sizes = [256, 1], strides = [1, 1]} : vector<256x32xf32> to vector<256x1xf32>
    %add3A_43 = arith.addf %add3A_41, %slice3A_42 : vector<256x1xf32>
    %slice3A_44 = vector.extract_strided_slice %mul3A {offsets = [0, 18], sizes = [256, 1], strides = [1, 1]} : vector<256x32xf32> to vector<256x1xf32>
    %add3A_45 = arith.addf %add3A_43, %slice3A_44 : vector<256x1xf32>
    %slice3A_46 = vector.extract_strided_slice %mul3A {offsets = [0, 19], sizes = [256, 1], strides = [1, 1]} : vector<256x32xf32> to vector<256x1xf32>
    %add3A_47 = arith.addf %add3A_45, %slice3A_46 : vector<256x1xf32>
    %slice3A_48 = vector.extract_strided_slice %mul3A {offsets = [0, 20], sizes = [256, 1], strides = [1, 1]} : vector<256x32xf32> to vector<256x1xf32>
    %add3A_49 = arith.addf %add3A_47, %slice3A_48 : vector<256x1xf32>
    %slice3A_50 = vector.extract_strided_slice %mul3A {offsets = [0, 21], sizes = [256, 1], strides = [1, 1]} : vector<256x32xf32> to vector<256x1xf32>
    %add3A_51 = arith.addf %add3A_49, %slice3A_50 : vector<256x1xf32>
    %slice3A_52 = vector.extract_strided_slice %mul3A {offsets = [0, 22], sizes = [256, 1], strides = [1, 1]} : vector<256x32xf32> to vector<256x1xf32>
    %add3A_53 = arith.addf %add3A_51, %slice3A_52 : vector<256x1xf32>
    %slice3A_54 = vector.extract_strided_slice %mul3A {offsets = [0, 23], sizes = [256, 1], strides = [1, 1]} : vector<256x32xf32> to vector<256x1xf32>
    %add3A_55 = arith.addf %add3A_53, %slice3A_54 : vector<256x1xf32>
    %slice3A_56 = vector.extract_strided_slice %mul3A {offsets = [0, 24], sizes = [256, 1], strides = [1, 1]} : vector<256x32xf32> to vector<256x1xf32>
    %add3A_57 = arith.addf %add3A_55, %slice3A_56 : vector<256x1xf32>
    %slice3A_58 = vector.extract_strided_slice %mul3A {offsets = [0, 25], sizes = [256, 1], strides = [1, 1]} : vector<256x32xf32> to vector<256x1xf32>
    %add3A_59 = arith.addf %add3A_57, %slice3A_58 : vector<256x1xf32>
    %slice3A_60 = vector.extract_strided_slice %mul3A {offsets = [0, 26], sizes = [256, 1], strides = [1, 1]} : vector<256x32xf32> to vector<256x1xf32>
    %add3A_61 = arith.addf %add3A_59, %slice3A_60 : vector<256x1xf32>
    %slice3A_62 = vector.extract_strided_slice %mul3A {offsets = [0, 27], sizes = [256, 1], strides = [1, 1]} : vector<256x32xf32> to vector<256x1xf32>
    %add3A_63 = arith.addf %add3A_61, %slice3A_62 : vector<256x1xf32>
    %slice3A_64 = vector.extract_strided_slice %mul3A {offsets = [0, 28], sizes = [256, 1], strides = [1, 1]} : vector<256x32xf32> to vector<256x1xf32>
    %add3A_65 = arith.addf %add3A_63, %slice3A_64 : vector<256x1xf32>
    %slice3A_66 = vector.extract_strided_slice %mul3A {offsets = [0, 29], sizes = [256, 1], strides = [1, 1]} : vector<256x32xf32> to vector<256x1xf32>
    %add3A_67 = arith.addf %add3A_65, %slice3A_66 : vector<256x1xf32>
    %slice3A_68 = vector.extract_strided_slice %mul3A {offsets = [0, 30], sizes = [256, 1], strides = [1, 1]} : vector<256x32xf32> to vector<256x1xf32>
    %add3A_69 = arith.addf %add3A_67, %slice3A_68 : vector<256x1xf32>
    %slice3A_70 = vector.extract_strided_slice %mul3A {offsets = [0, 31], sizes = [256, 1], strides = [1, 1]} : vector<256x32xf32> to vector<256x1xf32>
    %add3A_71 = arith.addf %add3A_69, %slice3A_70 : vector<256x1xf32>
    %get3A_72 = arith.constant 0 : index
    %get3A_73 = arith.constant 0 : index
    %get3A_74 = vector.load %arg10[%get3A_72, %get3A_73] : memref<1x8192xf32, #tpu.memory_space<vmem>>, vector<1x8192xf32>
    %add3A_75 = vector.broadcast %add3A_71 : vector<256x1xf32> to vector<256x8192xf32>
    %add3A_76 = vector.broadcast %get3A_74 : vector<1x8192xf32> to vector<256x8192xf32>
    %add3A_77 = arith.addf %add3A_75, %add3A_76 : vector<256x8192xf32>
    %sub3A = arith.subf %add3A_77, %dot_general3A_9 : vector<256x8192xf32>
    %reduce_min3A = arith.constant dense<0x7F800000> : vector<256xf32>
    %reduce_min3A_78 = vector.multi_reduction <minimumf>, %sub3A, %reduce_min3A [1] : vector<256x8192xf32> to vector<256xf32>
    %broadcast_in_dim3A = vector.shape_cast %reduce_min3A_78 : vector<256xf32> to vector<256x1xf32>
    %get3A_79 = arith.constant 0 : index
    %get3A_80 = arith.constant 0 : index
    %get3A_81 = vector.load %arg3[%get3A_79, %get3A_80] : memref<1x8192xf32, #tpu.memory_space<vmem>>, vector<1x8192xf32>
    %eq3A_82 = vector.broadcast %broadcast_in_dim3A : vector<256x1xf32> to vector<256x8192xf32>
    %eq3A_83 = arith.cmpf oeq, %sub3A, %eq3A_82 : vector<256x8192xf32>
    %jit3A = arith.constant 3.000000e+38 : f32
    %broadcast_in_dim3A_84 = vector.shape_cast %get3A_81 : vector<1x8192xf32> to vector<1x8192xf32>
    %broadcast_in_dim3A_85 = vector.broadcast %broadcast_in_dim3A_84 : vector<1x8192xf32> to vector<256x8192xf32>
    %broadcast_in_dim3A_86 = vector.broadcast %jit3A : f32 to vector<256x8192xf32>
    %select_n3A = arith.select %eq3A_83, %broadcast_in_dim3A_85, %broadcast_in_dim3A_86 : vector<256x8192xi1>, vector<256x8192xf32>
    %reduce_min3A_87 = arith.constant dense<0x7F800000> : vector<256xf32>
    %reduce_min3A_88 = vector.multi_reduction <minimumf>, %select_n3A, %reduce_min3A_87 [1] : vector<256x8192xf32> to vector<256xf32>
    %broadcast_in_dim3A_89 = vector.shape_cast %reduce_min3A_88 : vector<256xf32> to vector<256x1xf32>
    %convert_element_type3A_90 = arith.fptosi %broadcast_in_dim3A_89 : vector<256x1xf32> to vector<256x1xi32>
    %eq3A_91 = vector.broadcast %get3A_81 : vector<1x8192xf32> to vector<256x8192xf32>
    %eq3A_92 = vector.broadcast %broadcast_in_dim3A_89 : vector<256x1xf32> to vector<256x8192xf32>
    %eq3A_93 = arith.cmpf oeq, %eq3A_91, %eq3A_92 : vector<256x8192xf32>
    %convert_element_type3A_94 = arith.extui %eq3A_93 : vector<256x8192xi1> to vector<256x8192xi32>
    %convert_element_type3A_95 = arith.sitofp %convert_element_type3A_94 : vector<256x8192xi32> to vector<256x8192xf32>
    %convert_element_type3A_96 = arith.truncf %convert_element_type3A_95 : vector<256x8192xf32> to vector<256x8192xbf16>
    %swap3A = arith.constant 0 : index
    %swap3A_97 = arith.constant 0 : index
    %swap3A_98 = vector.load %arg5[%swap3A, %swap3A_97] : memref<256x1xi32, #tpu.memory_space<vmem>>, vector<256x1xi32>
    tpu.vector_store %arg5[%swap3A, %swap3A_97], %convert_element_type3A_90 {strides = array<i32>} : memref<256x1xi32, #tpu.memory_space<vmem>>, vector<256x1xi32>,
    %squeeze3A = vector.shape_cast %convert_element_type3A_90 : vector<256x1xi32> to vector<256xi32>
    %swap3A_99 = arith.constant 0 : index
    %swap3A_100 = vector.load %arg6[%swap3A_99] : memref<256xi32, #tpu.memory_space<vmem>>, vector<256xi32>
    tpu.vector_store %arg6[%swap3A_99], %squeeze3A {strides = array<i32>} : memref<256xi32, #tpu.memory_space<vmem>>, vector<256xi32>,
    %dot_general3A_101 = arith.constant dense<0.000000e+00> : vector<256x32xf32>
    %dot_general3A_102 = tpu.matmul %convert_element_type3A_96, %convert_element_type3A_5, %dot_general3A_101 {dimension_numbers = #tpu.dot_dimension_numbers<[1], [0], [0], [1], [0, 0, 1, 1], [], []>, transpose_lhs_hint = false} : vector<256x8192xbf16>, vector<8192x32xbf16>, vector<256x32xf32> -> vector<256x32xf32>
    %sub3A_103 = arith.subf %dot_general3A_102, %get3A_1 : vector<256x32xf32>
    %add3A_104 = arith.addf %get3A_1, %sub3A_103 : vector<256x32xf32>
    %swap3A_105 = arith.constant 0 : index
    %swap3A_106 = arith.constant 0 : index
    %swap3A_107 = vector.load %arg4[%swap3A_105, %swap3A_106] : memref<256x32xf32, #tpu.memory_space<vmem>>, vector<256x32xf32>
    tpu.vector_store %arg4[%swap3A_105, %swap3A_106], %add3A_104 {strides = array<i32>} : memref<256x32xf32, #tpu.memory_space<vmem>>, vector<256x32xf32>,
    %broadcast_in_dim3A_108 = arith.constant 1.000000e+00 : bf16
    %broadcast_in_dim3A_109 = vector.broadcast %broadcast_in_dim3A_108 : bf16 to vector<1x256xbf16>
    %get3A_110 = arith.constant 0 : index
    %get3A_111 = arith.constant 0 : index
    %get3A_112 = vector.load %arg9[%get3A_110, %get3A_111] : memref<1x8192xf32, #tpu.memory_space<vmem>>, vector<1x8192xf32>
    %dot_general3A_113 = arith.constant dense<0.000000e+00> : vector<1x8192xf32>
    %dot_general3A_114 = tpu.matmul %broadcast_in_dim3A_109, %convert_element_type3A_96, %dot_general3A_113 {dimension_numbers = #tpu.dot_dimension_numbers<[1], [0], [0], [1], [0, 0, 1, 1], [], []>, transpose_lhs_hint = false} : vector<1x256xbf16>, vector<256x8192xbf16>, vector<1x8192xf32> -> vector<1x8192xf32>
    %add3A_115 = arith.addf %get3A_112, %dot_general3A_114 : vector<1x8192xf32>
    %swap3A_116 = arith.constant 0 : index
    %swap3A_117 = arith.constant 0 : index
    %swap3A_118 = vector.load %arg9[%swap3A_116, %swap3A_117] : memref<1x8192xf32, #tpu.memory_space<vmem>>, vector<1x8192xf32>
    tpu.vector_store %arg9[%swap3A_116, %swap3A_117], %add3A_115 {strides = array<i32>} : memref<1x8192xf32, #tpu.memory_space<vmem>>, vector<1x8192xf32>,
    %get3A_119 = arith.constant 0 : index
    %get3A_120 = memref.load %arg11[%get3A_119] : memref<1xf32, #tpu.memory_space<smem>>
    %mul3A_121 = arith.mulf %sub3A_103, %sub3A_103 : vector<256x32xf32>
    %reduce_sum3A = vector.shape_cast %mul3A_121 : vector<256x32xf32> to vector<1x256x32xf32>
    %reduce_sum3A_122 = arith.constant dense<0.000000e+00> : vector<1xf32>
    %reduce_sum3A_123 = vector.multi_reduction <add>, %reduce_sum3A, %reduce_sum3A_122 [1, 2] : vector<1x256x32xf32> to vector<1xf32>
    %reduce_sum3A_124 = vector.shape_cast %reduce_sum3A_123 : vector<1xf32> to vector<1x1x1xf32>
    %reduce_sum3A_125 = vector.extract %reduce_sum3A_124[0, 0, 0] : f32 from vector<1x1x1xf32>
    %add3A_126 = arith.addf %get3A_120, %reduce_sum3A_125 : f32
    %swap3A_127 = arith.constant 0 : index
    %swap3A_128 = memref.load %arg11[%swap3A_127] : memref<1xf32, #tpu.memory_space<smem>>
    memref.store %add3A_126, %arg11[%swap3A_127] : memref<1xf32, #tpu.memory_space<smem>>
    %eq3A_129 = arith.constant 15 : i32
    %eq3A_130 = arith.cmpi eq, %arg0, %eq3A_129 : i32
    %convert_element_type3A_131 = arith.extui %eq3A_130 : i1 to i32
    %cond3A_132 = arith.constant 0 : i32
    %cond3A_133 = arith.cmpi ne, %convert_element_type3A_131, %cond3A_132 : i32
    scf.if %cond3A_133 {
      %get3A_134 = arith.constant 0 : index
      %get3A_135 = memref.load %arg11[%get3A_134] : memref<1xf32, #tpu.memory_space<smem>>
      %mul3A_136 = arith.constant 7.62939453E-6 : f32
      %mul3A_137 = arith.mulf %get3A_135, %mul3A_136 : f32
      %mul3A_138 = arith.constant 2.500000e-01 : f32
      %mul3A_139 = arith.mulf %mul3A_138, %mul3A_137 : f32
      %add3A_140 = arith.addf %mul3A_137, %mul3A_139 : f32
      %swap3A_141 = arith.constant 0 : index
      %swap3A_142 = arith.constant 0 : index
      %swap3A_143 = memref.load %arg7[%swap3A_141, %swap3A_142] : memref<1x1xf32, #tpu.memory_space<smem>>
      memref.store %add3A_140, %arg7[%swap3A_141, %swap3A_142] : memref<1x1xf32, #tpu.memory_space<smem>>
      %get3A_144 = arith.constant 0 : index
      %get3A_145 = arith.constant 0 : index
      %get3A_146 = vector.load %arg9[%get3A_144, %get3A_145] : memref<1x8192xf32, #tpu.memory_space<vmem>>, vector<1x8192xf32>
      %mul3A_147 = arith.constant 2.44140625E-4 : f32
      %mul3A_148 = vector.broadcast %mul3A_147 : f32 to vector<1x8192xf32>
      %mul3A_149 = arith.mulf %get3A_146, %mul3A_148 : vector<1x8192xf32>
      %add3A_150 = arith.constant 1.000000e-10 : f32
      %add3A_151 = vector.broadcast %add3A_150 : f32 to vector<1x8192xf32>
      %add3A_152 = arith.addf %mul3A_149, %add3A_151 : vector<1x8192xf32>
      %log3A = math.log %add3A_152 : vector<1x8192xf32>
      %mul3A_153 = arith.mulf %mul3A_149, %log3A : vector<1x8192xf32>
      %reduce_sum3A_154 = vector.shape_cast %mul3A_153 : vector<1x8192xf32> to vector<1x1x8192xf32>
      %reduce_sum3A_155 = arith.constant dense<0.000000e+00> : vector<1xf32>
      %reduce_sum3A_156 = vector.multi_reduction <add>, %reduce_sum3A_154, %reduce_sum3A_155 [1, 2] : vector<1x1x8192xf32> to vector<1xf32>
      %reduce_sum3A_157 = vector.shape_cast %reduce_sum3A_156 : vector<1xf32> to vector<1x1x1xf32>
      %reduce_sum3A_158 = vector.extract %reduce_sum3A_157[0, 0, 0] : f32 from vector<1x1x1xf32>
      %neg3A = arith.constant 0.000000e+00 : f32
      %neg3A_159 = arith.subf %neg3A, %reduce_sum3A_158 : f32
      %exp3A = math.exp %neg3A_159 : f32
      %swap3A_160 = arith.constant 0 : index
      %swap3A_161 = arith.constant 0 : index
      %swap3A_162 = memref.load %arg8[%swap3A_160, %swap3A_161] : memref<1x1xf32, #tpu.memory_space<smem>>
      memref.store %exp3A, %arg8[%swap3A_160, %swap3A_161] : memref<1x1xf32, #tpu.memory_space<smem>>
    } else {
    }
    return
  }
  func.func @transform_0(%arg0: i32) -> (i32, i32) {
    %c0_i32 = arith.constant 0 : i32
    %c0_i32_0 = arith.constant 0 : i32
    return %arg0, %c0_i32 : i32, i32
  }
  func.func @transform_1(%arg0: i32) -> (i32, i32) {
    %c0_i32 = arith.constant 0 : i32
    %c0_i32_0 = arith.constant 0 : i32
    %c0_i32_1 = arith.constant 0 : i32
    return %c0_i32, %c0_i32_0 : i32, i32
  }
  func.func @transform_2(%arg0: i32) -> (i32, i32) {
    %c0_i32 = arith.constant 0 : i32
    %c0_i32_0 = arith.constant 0 : i32
    %c0_i32_1 = arith.constant 0 : i32
    return %c0_i32, %c0_i32_0 : i32, i32
  }
  func.func @transform_3(%arg0: i32) -> (i32, i32) {
    %c0_i32 = arith.constant 0 : i32
    %c0_i32_0 = arith.constant 0 : i32
    return %arg0, %c0_i32 : i32, i32
  }
  func.func @transform_4(%arg0: i32) -> (i32, i32) {
    %c0_i32 = arith.constant 0 : i32
    %c0_i32_0 = arith.constant 0 : i32
    return %arg0, %c0_i32 : i32, i32
  }
  func.func @transform_5(%arg0: i32) -> i32 {
    %c0_i32 = arith.constant 0 : i32
    return %arg0 : i32
  }
  func.func @transform_6(%arg0: i32) -> (i32, i32) {
    %c0_i32 = arith.constant 0 : i32
    %c0_i32_0 = arith.constant 0 : i32
    %c0_i32_1 = arith.constant 0 : i32
    return %c0_i32, %c0_i32_0 : i32, i32
  }
  func.func @transform_7(%arg0: i32) -> (i32, i32) {
    %c0_i32 = arith.constant 0 : i32
    %c0_i32_0 = arith.constant 0 : i32
    %c0_i32_1 = arith.constant 0 : i32
    return %c0_i32, %c0_i32_0 : i32, i32
  }
}

module attributes {stable_mosaic.version = 14 : i64} {
  func.func @_vq_body(%arg0: i32, %arg1: memref<256x32xf32, #tpu.memory_space<vmem>>, %arg2: memref<8192x32xf32, #tpu.memory_space<vmem>>, %arg3: memref<1x8192xf32, #tpu.memory_space<vmem>>, %arg4: memref<256x8192xf32, #tpu.memory_space<vmem>>, %arg5: memref<256x32xf32, #tpu.memory_space<vmem>>, %arg6: memref<256x1xi32, #tpu.memory_space<vmem>>, %arg7: memref<256xi32, #tpu.memory_space<vmem>>, %arg8: memref<1x1xf32, #tpu.memory_space<smem>>, %arg9: memref<1x1xf32, #tpu.memory_space<smem>>, %arg10: memref<1x8192xf32, #tpu.memory_space<vmem>>, %arg11: memref<1x8192xf32, #tpu.memory_space<vmem>>, %arg12: memref<1xf32, #tpu.memory_space<smem>>) attributes {dimension_semantics = [#tpu.dimension_semantics<arbitrary>], iteration_bounds = array<i64: 16>, scalar_prefetch = 0 : i64, scratch_operands = 3 : i64, tpu.core_type = #tpu.core_type<tc>, window_params = [{transform_indices = @transform_0, window_bounds = array<i64: 256, 32>}, {pipeline_mode = #tpu.pipeline_mode<synchronous>, transform_indices = @transform_1, window_bounds = array<i64: 8192, 32>}, {pipeline_mode = #tpu.pipeline_mode<synchronous>, transform_indices = @transform_2, window_bounds = array<i64: 1, 8192>}, {transform_indices = @transform_3, window_bounds = array<i64: 256, 8192>}, {transform_indices = @transform_4, window_bounds = array<i64: 256, 32>}, {transform_indices = @transform_5, window_bounds = array<i64: 256, 1>}, {transform_indices = @transform_6, window_bounds = array<i64: 256>}, {transform_indices = @transform_7, window_bounds = array<i64: 1, 1>}, {transform_indices = @transform_8, window_bounds = array<i64: 1, 1>}]} {
    %get3A = arith.constant 0 : index
    %get3A_0 = arith.constant 0 : index
    %get3A_1 = vector.load %arg1[%get3A, %get3A_0] : memref<256x32xf32, #tpu.memory_space<vmem>>, vector<256x32xf32>
    %get3A_2 = arith.constant 0 : index
    %get3A_3 = arith.constant 0 : index
    %get3A_4 = vector.load %arg2[%get3A_2, %get3A_3] : memref<8192x32xf32, #tpu.memory_space<vmem>>, vector<8192x32xf32>
    %add3A = arith.addf %get3A_1, %get3A_1 : vector<256x32xf32>
    %convert_element_type3A = arith.truncf %add3A : vector<256x32xf32> to vector<256x32xbf16>
    %convert_element_type3A_5 = arith.truncf %get3A_4 : vector<8192x32xf32> to vector<8192x32xbf16>
    %eq3A = arith.constant 0 : i32
    %eq3A_6 = arith.cmpi eq, %arg0, %eq3A : i32
    %convert_element_type3A_7 = arith.extui %eq3A_6 : i1 to i32
    %cond3A = arith.constant 0 : i32
    %cond3A_8 = arith.cmpi ne, %convert_element_type3A_7, %cond3A : i32
    scf.if %cond3A_8 {
      %broadcast_in_dim3A_137 = arith.constant 0.000000e+00 : f32
      %broadcast_in_dim3A_138 = vector.broadcast %broadcast_in_dim3A_137 : f32 to vector<1x8192xf32>
      %swap3A_139 = arith.constant 0 : index
      %swap3A_140 = arith.constant 0 : index
      %swap3A_141 = vector.load %arg10[%swap3A_139, %swap3A_140] : memref<1x8192xf32, #tpu.memory_space<vmem>>, vector<1x8192xf32>
      tpu.vector_store %arg10[%swap3A_139, %swap3A_140], %broadcast_in_dim3A_138 {strides = array<i32>} : memref<1x8192xf32, #tpu.memory_space<vmem>>, vector<1x8192xf32>,
      %mul3A_142 = arith.mulf %get3A_4, %get3A_4 : vector<8192x32xf32>
      %reduce_sum3A_143 = arith.constant dense<0.000000e+00> : vector<8192xf32>
      %reduce_sum3A_144 = vector.multi_reduction <add>, %mul3A_142, %reduce_sum3A_143 [1] : vector<8192x32xf32> to vector<8192xf32>
      %broadcast_in_dim3A_145 = vector.shape_cast %reduce_sum3A_144 : vector<8192xf32> to vector<1x8192xf32>
      %swap3A_146 = arith.constant 0 : index
      %swap3A_147 = arith.constant 0 : index
      %swap3A_148 = vector.load %arg11[%swap3A_146, %swap3A_147] : memref<1x8192xf32, #tpu.memory_space<vmem>>, vector<1x8192xf32>
      tpu.vector_store %arg11[%swap3A_146, %swap3A_147], %broadcast_in_dim3A_145 {strides = array<i32>} : memref<1x8192xf32, #tpu.memory_space<vmem>>, vector<1x8192xf32>,
      %swap3A_149 = arith.constant 0.000000e+00 : f32
      %swap3A_150 = arith.constant 0 : index
      %swap3A_151 = memref.load %arg12[%swap3A_150] : memref<1xf32, #tpu.memory_space<smem>>
      memref.store %swap3A_149, %arg12[%swap3A_150] : memref<1xf32, #tpu.memory_space<smem>>
    } else {
    }
    %dot_general3A = arith.constant dense<0.000000e+00> : vector<256x8192xf32>
    %dot_general3A_9 = tpu.matmul %convert_element_type3A, %convert_element_type3A_5, %dot_general3A {dimension_numbers = #tpu.dot_dimension_numbers<[1], [1], [0], [0], [0, 0, 1, 0], [], []>, transpose_lhs_hint = false} : vector<256x32xbf16>, vector<8192x32xbf16>, vector<256x8192xf32> -> vector<256x8192xf32>
    %mul3A = arith.mulf %get3A_1, %get3A_1 : vector<256x32xf32>
    %slice3A = vector.extract_strided_slice %mul3A {offsets = [0, 0], sizes = [256, 1], strides = [1, 1]} : vector<256x32xf32> to vector<256x1xf32>
    %slice3A_10 = vector.extract_strided_slice %mul3A {offsets = [0, 1], sizes = [256, 1], strides = [1, 1]} : vector<256x32xf32> to vector<256x1xf32>
    %add3A_11 = arith.addf %slice3A, %slice3A_10 : vector<256x1xf32>
    %slice3A_12 = vector.extract_strided_slice %mul3A {offsets = [0, 2], sizes = [256, 1], strides = [1, 1]} : vector<256x32xf32> to vector<256x1xf32>
    %add3A_13 = arith.addf %add3A_11, %slice3A_12 : vector<256x1xf32>
    %slice3A_14 = vector.extract_strided_slice %mul3A {offsets = [0, 3], sizes = [256, 1], strides = [1, 1]} : vector<256x32xf32> to vector<256x1xf32>
    %add3A_15 = arith.addf %add3A_13, %slice3A_14 : vector<256x1xf32>
    %slice3A_16 = vector.extract_strided_slice %mul3A {offsets = [0, 4], sizes = [256, 1], strides = [1, 1]} : vector<256x32xf32> to vector<256x1xf32>
    %add3A_17 = arith.addf %add3A_15, %slice3A_16 : vector<256x1xf32>
    %slice3A_18 = vector.extract_strided_slice %mul3A {offsets = [0, 5], sizes = [256, 1], strides = [1, 1]} : vector<256x32xf32> to vector<256x1xf32>
    %add3A_19 = arith.addf %add3A_17, %slice3A_18 : vector<256x1xf32>
    %slice3A_20 = vector.extract_strided_slice %mul3A {offsets = [0, 6], sizes = [256, 1], strides = [1, 1]} : vector<256x32xf32> to vector<256x1xf32>
    %add3A_21 = arith.addf %add3A_19, %slice3A_20 : vector<256x1xf32>
    %slice3A_22 = vector.extract_strided_slice %mul3A {offsets = [0, 7], sizes = [256, 1], strides = [1, 1]} : vector<256x32xf32> to vector<256x1xf32>
    %add3A_23 = arith.addf %add3A_21, %slice3A_22 : vector<256x1xf32>
    %slice3A_24 = vector.extract_strided_slice %mul3A {offsets = [0, 8], sizes = [256, 1], strides = [1, 1]} : vector<256x32xf32> to vector<256x1xf32>
    %add3A_25 = arith.addf %add3A_23, %slice3A_24 : vector<256x1xf32>
    %slice3A_26 = vector.extract_strided_slice %mul3A {offsets = [0, 9], sizes = [256, 1], strides = [1, 1]} : vector<256x32xf32> to vector<256x1xf32>
    %add3A_27 = arith.addf %add3A_25, %slice3A_26 : vector<256x1xf32>
    %slice3A_28 = vector.extract_strided_slice %mul3A {offsets = [0, 10], sizes = [256, 1], strides = [1, 1]} : vector<256x32xf32> to vector<256x1xf32>
    %add3A_29 = arith.addf %add3A_27, %slice3A_28 : vector<256x1xf32>
    %slice3A_30 = vector.extract_strided_slice %mul3A {offsets = [0, 11], sizes = [256, 1], strides = [1, 1]} : vector<256x32xf32> to vector<256x1xf32>
    %add3A_31 = arith.addf %add3A_29, %slice3A_30 : vector<256x1xf32>
    %slice3A_32 = vector.extract_strided_slice %mul3A {offsets = [0, 12], sizes = [256, 1], strides = [1, 1]} : vector<256x32xf32> to vector<256x1xf32>
    %add3A_33 = arith.addf %add3A_31, %slice3A_32 : vector<256x1xf32>
    %slice3A_34 = vector.extract_strided_slice %mul3A {offsets = [0, 13], sizes = [256, 1], strides = [1, 1]} : vector<256x32xf32> to vector<256x1xf32>
    %add3A_35 = arith.addf %add3A_33, %slice3A_34 : vector<256x1xf32>
    %slice3A_36 = vector.extract_strided_slice %mul3A {offsets = [0, 14], sizes = [256, 1], strides = [1, 1]} : vector<256x32xf32> to vector<256x1xf32>
    %add3A_37 = arith.addf %add3A_35, %slice3A_36 : vector<256x1xf32>
    %slice3A_38 = vector.extract_strided_slice %mul3A {offsets = [0, 15], sizes = [256, 1], strides = [1, 1]} : vector<256x32xf32> to vector<256x1xf32>
    %add3A_39 = arith.addf %add3A_37, %slice3A_38 : vector<256x1xf32>
    %slice3A_40 = vector.extract_strided_slice %mul3A {offsets = [0, 16], sizes = [256, 1], strides = [1, 1]} : vector<256x32xf32> to vector<256x1xf32>
    %add3A_41 = arith.addf %add3A_39, %slice3A_40 : vector<256x1xf32>
    %slice3A_42 = vector.extract_strided_slice %mul3A {offsets = [0, 17], sizes = [256, 1], strides = [1, 1]} : vector<256x32xf32> to vector<256x1xf32>
    %add3A_43 = arith.addf %add3A_41, %slice3A_42 : vector<256x1xf32>
    %slice3A_44 = vector.extract_strided_slice %mul3A {offsets = [0, 18], sizes = [256, 1], strides = [1, 1]} : vector<256x32xf32> to vector<256x1xf32>
    %add3A_45 = arith.addf %add3A_43, %slice3A_44 : vector<256x1xf32>
    %slice3A_46 = vector.extract_strided_slice %mul3A {offsets = [0, 19], sizes = [256, 1], strides = [1, 1]} : vector<256x32xf32> to vector<256x1xf32>
    %add3A_47 = arith.addf %add3A_45, %slice3A_46 : vector<256x1xf32>
    %slice3A_48 = vector.extract_strided_slice %mul3A {offsets = [0, 20], sizes = [256, 1], strides = [1, 1]} : vector<256x32xf32> to vector<256x1xf32>
    %add3A_49 = arith.addf %add3A_47, %slice3A_48 : vector<256x1xf32>
    %slice3A_50 = vector.extract_strided_slice %mul3A {offsets = [0, 21], sizes = [256, 1], strides = [1, 1]} : vector<256x32xf32> to vector<256x1xf32>
    %add3A_51 = arith.addf %add3A_49, %slice3A_50 : vector<256x1xf32>
    %slice3A_52 = vector.extract_strided_slice %mul3A {offsets = [0, 22], sizes = [256, 1], strides = [1, 1]} : vector<256x32xf32> to vector<256x1xf32>
    %add3A_53 = arith.addf %add3A_51, %slice3A_52 : vector<256x1xf32>
    %slice3A_54 = vector.extract_strided_slice %mul3A {offsets = [0, 23], sizes = [256, 1], strides = [1, 1]} : vector<256x32xf32> to vector<256x1xf32>
    %add3A_55 = arith.addf %add3A_53, %slice3A_54 : vector<256x1xf32>
    %slice3A_56 = vector.extract_strided_slice %mul3A {offsets = [0, 24], sizes = [256, 1], strides = [1, 1]} : vector<256x32xf32> to vector<256x1xf32>
    %add3A_57 = arith.addf %add3A_55, %slice3A_56 : vector<256x1xf32>
    %slice3A_58 = vector.extract_strided_slice %mul3A {offsets = [0, 25], sizes = [256, 1], strides = [1, 1]} : vector<256x32xf32> to vector<256x1xf32>
    %add3A_59 = arith.addf %add3A_57, %slice3A_58 : vector<256x1xf32>
    %slice3A_60 = vector.extract_strided_slice %mul3A {offsets = [0, 26], sizes = [256, 1], strides = [1, 1]} : vector<256x32xf32> to vector<256x1xf32>
    %add3A_61 = arith.addf %add3A_59, %slice3A_60 : vector<256x1xf32>
    %slice3A_62 = vector.extract_strided_slice %mul3A {offsets = [0, 27], sizes = [256, 1], strides = [1, 1]} : vector<256x32xf32> to vector<256x1xf32>
    %add3A_63 = arith.addf %add3A_61, %slice3A_62 : vector<256x1xf32>
    %slice3A_64 = vector.extract_strided_slice %mul3A {offsets = [0, 28], sizes = [256, 1], strides = [1, 1]} : vector<256x32xf32> to vector<256x1xf32>
    %add3A_65 = arith.addf %add3A_63, %slice3A_64 : vector<256x1xf32>
    %slice3A_66 = vector.extract_strided_slice %mul3A {offsets = [0, 29], sizes = [256, 1], strides = [1, 1]} : vector<256x32xf32> to vector<256x1xf32>
    %add3A_67 = arith.addf %add3A_65, %slice3A_66 : vector<256x1xf32>
    %slice3A_68 = vector.extract_strided_slice %mul3A {offsets = [0, 30], sizes = [256, 1], strides = [1, 1]} : vector<256x32xf32> to vector<256x1xf32>
    %add3A_69 = arith.addf %add3A_67, %slice3A_68 : vector<256x1xf32>
    %slice3A_70 = vector.extract_strided_slice %mul3A {offsets = [0, 31], sizes = [256, 1], strides = [1, 1]} : vector<256x32xf32> to vector<256x1xf32>
    %add3A_71 = arith.addf %add3A_69, %slice3A_70 : vector<256x1xf32>
    %get3A_72 = arith.constant 0 : index
    %get3A_73 = arith.constant 0 : index
    %get3A_74 = vector.load %arg11[%get3A_72, %get3A_73] : memref<1x8192xf32, #tpu.memory_space<vmem>>, vector<1x8192xf32>
    %add3A_75 = vector.broadcast %add3A_71 : vector<256x1xf32> to vector<256x8192xf32>
    %add3A_76 = vector.broadcast %get3A_74 : vector<1x8192xf32> to vector<256x8192xf32>
    %add3A_77 = arith.addf %add3A_75, %add3A_76 : vector<256x8192xf32>
    %sub3A = arith.subf %add3A_77, %dot_general3A_9 : vector<256x8192xf32>
    %reduce_min3A = arith.constant dense<0x7F800000> : vector<256xf32>
    %reduce_min3A_78 = vector.multi_reduction <minimumf>, %sub3A, %reduce_min3A [1] : vector<256x8192xf32> to vector<256xf32>
    %broadcast_in_dim3A = vector.shape_cast %reduce_min3A_78 : vector<256xf32> to vector<256x1xf32>
    %get3A_79 = arith.constant 0 : index
    %get3A_80 = arith.constant 0 : index
    %get3A_81 = vector.load %arg3[%get3A_79, %get3A_80] : memref<1x8192xf32, #tpu.memory_space<vmem>>, vector<1x8192xf32>
    %eq3A_82 = vector.broadcast %broadcast_in_dim3A : vector<256x1xf32> to vector<256x8192xf32>
    %eq3A_83 = arith.cmpf oeq, %sub3A, %eq3A_82 : vector<256x8192xf32>
    %jit3A = arith.constant 3.000000e+38 : f32
    %broadcast_in_dim3A_84 = vector.shape_cast %get3A_81 : vector<1x8192xf32> to vector<1x8192xf32>
    %broadcast_in_dim3A_85 = vector.broadcast %broadcast_in_dim3A_84 : vector<1x8192xf32> to vector<256x8192xf32>
    %broadcast_in_dim3A_86 = vector.broadcast %jit3A : f32 to vector<256x8192xf32>
    %select_n3A = arith.select %eq3A_83, %broadcast_in_dim3A_85, %broadcast_in_dim3A_86 : vector<256x8192xi1>, vector<256x8192xf32>
    %reduce_min3A_87 = arith.constant dense<0x7F800000> : vector<256xf32>
    %reduce_min3A_88 = vector.multi_reduction <minimumf>, %select_n3A, %reduce_min3A_87 [1] : vector<256x8192xf32> to vector<256xf32>
    %broadcast_in_dim3A_89 = vector.shape_cast %reduce_min3A_88 : vector<256xf32> to vector<256x1xf32>
    %convert_element_type3A_90 = arith.fptosi %broadcast_in_dim3A_89 : vector<256x1xf32> to vector<256x1xi32>
    %eq3A_91 = vector.broadcast %get3A_81 : vector<1x8192xf32> to vector<256x8192xf32>
    %eq3A_92 = vector.broadcast %broadcast_in_dim3A_89 : vector<256x1xf32> to vector<256x8192xf32>
    %eq3A_93 = arith.cmpf oeq, %eq3A_91, %eq3A_92 : vector<256x8192xf32>
    %convert_element_type3A_94 = arith.extui %eq3A_93 : vector<256x8192xi1> to vector<256x8192xi32>
    %convert_element_type3A_95 = arith.sitofp %convert_element_type3A_94 : vector<256x8192xi32> to vector<256x8192xf32>
    %convert_element_type3A_96 = arith.truncf %convert_element_type3A_95 : vector<256x8192xf32> to vector<256x8192xbf16>
    %swap3A = arith.constant 0 : index
    %swap3A_97 = arith.constant 0 : index
    %swap3A_98 = vector.load %arg4[%swap3A, %swap3A_97] : memref<256x8192xf32, #tpu.memory_space<vmem>>, vector<256x8192xf32>
    tpu.vector_store %arg4[%swap3A, %swap3A_97], %convert_element_type3A_95 {strides = array<i32>} : memref<256x8192xf32, #tpu.memory_space<vmem>>, vector<256x8192xf32>,
    %swap3A_99 = arith.constant 0 : index
    %swap3A_100 = arith.constant 0 : index
    %swap3A_101 = vector.load %arg6[%swap3A_99, %swap3A_100] : memref<256x1xi32, #tpu.memory_space<vmem>>, vector<256x1xi32>
    tpu.vector_store %arg6[%swap3A_99, %swap3A_100], %convert_element_type3A_90 {strides = array<i32>} : memref<256x1xi32, #tpu.memory_space<vmem>>, vector<256x1xi32>,
    %squeeze3A = vector.shape_cast %convert_element_type3A_90 : vector<256x1xi32> to vector<256xi32>
    %swap3A_102 = arith.constant 0 : index
    %swap3A_103 = vector.load %arg7[%swap3A_102] : memref<256xi32, #tpu.memory_space<vmem>>, vector<256xi32>
    tpu.vector_store %arg7[%swap3A_102], %squeeze3A {strides = array<i32>} : memref<256xi32, #tpu.memory_space<vmem>>, vector<256xi32>,
    %dot_general3A_104 = arith.constant dense<0.000000e+00> : vector<256x32xf32>
    %dot_general3A_105 = tpu.matmul %convert_element_type3A_96, %convert_element_type3A_5, %dot_general3A_104 {dimension_numbers = #tpu.dot_dimension_numbers<[1], [0], [0], [1], [0, 0, 1, 1], [], []>, transpose_lhs_hint = false} : vector<256x8192xbf16>, vector<8192x32xbf16>, vector<256x32xf32> -> vector<256x32xf32>
    %sub3A_106 = arith.subf %dot_general3A_105, %get3A_1 : vector<256x32xf32>
    %add3A_107 = arith.addf %get3A_1, %sub3A_106 : vector<256x32xf32>
    %swap3A_108 = arith.constant 0 : index
    %swap3A_109 = arith.constant 0 : index
    %swap3A_110 = vector.load %arg5[%swap3A_108, %swap3A_109] : memref<256x32xf32, #tpu.memory_space<vmem>>, vector<256x32xf32>
    tpu.vector_store %arg5[%swap3A_108, %swap3A_109], %add3A_107 {strides = array<i32>} : memref<256x32xf32, #tpu.memory_space<vmem>>, vector<256x32xf32>,
    %broadcast_in_dim3A_111 = arith.constant 1.000000e+00 : bf16
    %broadcast_in_dim3A_112 = vector.broadcast %broadcast_in_dim3A_111 : bf16 to vector<1x256xbf16>
    %get3A_113 = arith.constant 0 : index
    %get3A_114 = arith.constant 0 : index
    %get3A_115 = vector.load %arg10[%get3A_113, %get3A_114] : memref<1x8192xf32, #tpu.memory_space<vmem>>, vector<1x8192xf32>
    %dot_general3A_116 = arith.constant dense<0.000000e+00> : vector<1x8192xf32>
    %dot_general3A_117 = tpu.matmul %broadcast_in_dim3A_112, %convert_element_type3A_96, %dot_general3A_116 {dimension_numbers = #tpu.dot_dimension_numbers<[1], [0], [0], [1], [0, 0, 1, 1], [], []>, transpose_lhs_hint = false} : vector<1x256xbf16>, vector<256x8192xbf16>, vector<1x8192xf32> -> vector<1x8192xf32>
    %add3A_118 = arith.addf %get3A_115, %dot_general3A_117 : vector<1x8192xf32>
    %swap3A_119 = arith.constant 0 : index
    %swap3A_120 = arith.constant 0 : index
    %swap3A_121 = vector.load %arg10[%swap3A_119, %swap3A_120] : memref<1x8192xf32, #tpu.memory_space<vmem>>, vector<1x8192xf32>
    tpu.vector_store %arg10[%swap3A_119, %swap3A_120], %add3A_118 {strides = array<i32>} : memref<1x8192xf32, #tpu.memory_space<vmem>>, vector<1x8192xf32>,
    %get3A_122 = arith.constant 0 : index
    %get3A_123 = memref.load %arg12[%get3A_122] : memref<1xf32, #tpu.memory_space<smem>>
    %mul3A_124 = arith.mulf %sub3A_106, %sub3A_106 : vector<256x32xf32>
    %reduce_sum3A = vector.shape_cast %mul3A_124 : vector<256x32xf32> to vector<1x256x32xf32>
    %reduce_sum3A_125 = arith.constant dense<0.000000e+00> : vector<1xf32>
    %reduce_sum3A_126 = vector.multi_reduction <add>, %reduce_sum3A, %reduce_sum3A_125 [1, 2] : vector<1x256x32xf32> to vector<1xf32>
    %reduce_sum3A_127 = vector.shape_cast %reduce_sum3A_126 : vector<1xf32> to vector<1x1x1xf32>
    %reduce_sum3A_128 = vector.extract %reduce_sum3A_127[0, 0, 0] : f32 from vector<1x1x1xf32>
    %add3A_129 = arith.addf %get3A_123, %reduce_sum3A_128 : f32
    %swap3A_130 = arith.constant 0 : index
    %swap3A_131 = memref.load %arg12[%swap3A_130] : memref<1xf32, #tpu.memory_space<smem>>
    memref.store %add3A_129, %arg12[%swap3A_130] : memref<1xf32, #tpu.memory_space<smem>>
    %eq3A_132 = arith.constant 15 : i32
    %eq3A_133 = arith.cmpi eq, %arg0, %eq3A_132 : i32
    %convert_element_type3A_134 = arith.extui %eq3A_133 : i1 to i32
    %cond3A_135 = arith.constant 0 : i32
    %cond3A_136 = arith.cmpi ne, %convert_element_type3A_134, %cond3A_135 : i32
    scf.if %cond3A_136 {
      %get3A_137 = arith.constant 0 : index
      %get3A_138 = memref.load %arg12[%get3A_137] : memref<1xf32, #tpu.memory_space<smem>>
      %mul3A_139 = arith.constant 7.62939453E-6 : f32
      %mul3A_140 = arith.mulf %get3A_138, %mul3A_139 : f32
      %mul3A_141 = arith.constant 2.500000e-01 : f32
      %mul3A_142 = arith.mulf %mul3A_141, %mul3A_140 : f32
      %add3A_143 = arith.addf %mul3A_140, %mul3A_142 : f32
      %swap3A_144 = arith.constant 0 : index
      %swap3A_145 = arith.constant 0 : index
      %swap3A_146 = memref.load %arg8[%swap3A_144, %swap3A_145] : memref<1x1xf32, #tpu.memory_space<smem>>
      memref.store %add3A_143, %arg8[%swap3A_144, %swap3A_145] : memref<1x1xf32, #tpu.memory_space<smem>>
      %get3A_147 = arith.constant 0 : index
      %get3A_148 = arith.constant 0 : index
      %get3A_149 = vector.load %arg10[%get3A_147, %get3A_148] : memref<1x8192xf32, #tpu.memory_space<vmem>>, vector<1x8192xf32>
      %mul3A_150 = arith.constant 2.44140625E-4 : f32
      %mul3A_151 = vector.broadcast %mul3A_150 : f32 to vector<1x8192xf32>
      %mul3A_152 = arith.mulf %get3A_149, %mul3A_151 : vector<1x8192xf32>
      %add3A_153 = arith.constant 1.000000e-10 : f32
      %add3A_154 = vector.broadcast %add3A_153 : f32 to vector<1x8192xf32>
      %add3A_155 = arith.addf %mul3A_152, %add3A_154 : vector<1x8192xf32>
      %log3A = math.log %add3A_155 : vector<1x8192xf32>
      %mul3A_156 = arith.mulf %mul3A_152, %log3A : vector<1x8192xf32>
      %reduce_sum3A_157 = vector.shape_cast %mul3A_156 : vector<1x8192xf32> to vector<1x1x8192xf32>
      %reduce_sum3A_158 = arith.constant dense<0.000000e+00> : vector<1xf32>
      %reduce_sum3A_159 = vector.multi_reduction <add>, %reduce_sum3A_157, %reduce_sum3A_158 [1, 2] : vector<1x1x8192xf32> to vector<1xf32>
      %reduce_sum3A_160 = vector.shape_cast %reduce_sum3A_159 : vector<1xf32> to vector<1x1x1xf32>
      %reduce_sum3A_161 = vector.extract %reduce_sum3A_160[0, 0, 0] : f32 from vector<1x1x1xf32>
      %neg3A = arith.constant 0.000000e+00 : f32
      %neg3A_162 = arith.subf %neg3A, %reduce_sum3A_161 : f32
      %exp3A = math.exp %neg3A_162 : f32
      %swap3A_163 = arith.constant 0 : index
      %swap3A_164 = arith.constant 0 : index
      %swap3A_165 = memref.load %arg9[%swap3A_163, %swap3A_164] : memref<1x1xf32, #tpu.memory_space<smem>>
      memref.store %exp3A, %arg9[%swap3A_163, %swap3A_164] : memref<1x1xf32, #tpu.memory_space<smem>>
    } else {
    }
    return
  }
  func.func @transform_0(%arg0: i32) -> (i32, i32) {
    %c0_i32 = arith.constant 0 : i32
    %c0_i32_0 = arith.constant 0 : i32
    return %arg0, %c0_i32 : i32, i32
  }
  func.func @transform_1(%arg0: i32) -> (i32, i32) {
    %c0_i32 = arith.constant 0 : i32
    %c0_i32_0 = arith.constant 0 : i32
    %c0_i32_1 = arith.constant 0 : i32
    return %c0_i32, %c0_i32_0 : i32, i32
  }
  func.func @transform_2(%arg0: i32) -> (i32, i32) {
    %c0_i32 = arith.constant 0 : i32
    %c0_i32_0 = arith.constant 0 : i32
    %c0_i32_1 = arith.constant 0 : i32
    return %c0_i32, %c0_i32_0 : i32, i32
  }
  func.func @transform_3(%arg0: i32) -> (i32, i32) {
    %c0_i32 = arith.constant 0 : i32
    %c0_i32_0 = arith.constant 0 : i32
    return %arg0, %c0_i32 : i32, i32
  }
  func.func @transform_4(%arg0: i32) -> (i32, i32) {
    %c0_i32 = arith.constant 0 : i32
    %c0_i32_0 = arith.constant 0 : i32
    return %arg0, %c0_i32 : i32, i32
  }
  func.func @transform_5(%arg0: i32) -> (i32, i32) {
    %c0_i32 = arith.constant 0 : i32
    %c0_i32_0 = arith.constant 0 : i32
    return %arg0, %c0_i32 : i32, i32
  }
  func.func @transform_6(%arg0: i32) -> i32 {
    %c0_i32 = arith.constant 0 : i32
    return %arg0 : i32
  }
  func.func @transform_7(%arg0: i32) -> (i32, i32) {
    %c0_i32 = arith.constant 0 : i32
    %c0_i32_0 = arith.constant 0 : i32
    %c0_i32_1 = arith.constant 0 : i32
    return %c0_i32, %c0_i32_0 : i32, i32
  }
  func.func @transform_8(%arg0: i32) -> (i32, i32) {
    %c0_i32 = arith.constant 0 : i32
    %c0_i32_0 = arith.constant 0 : i32
    %c0_i32_1 = arith.constant 0 : i32
    return %c0_i32, %c0_i32_0 : i32, i32
  }
}

</mosaic_0001>

<sc_bundles>
// kernel: kernel.5.cloned.1.call-start
scs
__scs_entry_jumppad:
0x0: {  	(pc) =	sbr.rel $0x88, $3  }
0x1: {  	(tag) =	ssettag $0x0;
	lr =	simm.s32 $0x1  }
0x2: {  	[smem:$0x3F9E] =	sst lr;
	_ =	strace $0xD0000000  }
0x3: {  	_ = 	snop  }
0x4: {  	_ = 	snop  }
0x5: {  	_ = 	snop  }
0x6: {  	_ = 	snop  }
0x7: {  	_ = 	snop  }
__scs_overlays_trampoline_lowered:
0x8: {  	[smem:$0x3FAD] =	sst s0  }
0x9: {  	[smem:$0x3FAE] =	sst s1  }
0xa: {  	[smem:$0x3FAF] =	sst s2  }
0xb: {  	[smem:$0x3FB0] =	sst s3  }
0xc: {  	[smem:$0x3FB1] =	sst s4  }
0xd: {  	[smem:$0x3FB2] =	sst s5  }
0xe: {  	[smem:$0x3FB3] =	sst s6  }
0xf: {  	[smem:$0x3FB4] =	sst s7  }
0x10: {  	[smem:$0x3FB5] =	sst s8  }
0x11: {  	[smem:$0x3FB6] =	sst s9;
	s0 =	simm.s32 @!p0 $0x0  }
0x12: {  	s1 =	sld [smem:$0x3F9C];
	s0 =	simm.s32 @p0 $0x1  }
0x13: {  	[smem:$0x3FB7] =	sst s0;
	s0 =	simm.s32 @!p1 $0x0  }
0x14: {  	s2 =	sld [smem:$0x3F9B];
	s0 =	simm.s32 @p1 $0x1  }
0x15: {  	[smem:$0x3FB8] =	sst s0;
	s0 =	simm.s32 @!p2 $0x0  }
0x16: {  	s3 =	sld [smem:$0x3FDB];
	s0 =	simm.s32 @p2 $0x1  }
0x17: {  	s4 =	simm.s32 $0x1BF5;
	[smem:$0x3FBA] =	sst s0  }
0x18: {  	s0 =	sld [smem:$0x3F9D];
	_ =	swait.ge [sflag:s4], $0x0  }
0x19: {  	s7 =	sld [smem:$0x3F9E]  }
0x1a: {  	s8 =	sadd.s32 $0xFFFFE003, lr  }
0x1b: {  	s9 =	sadd.s32 $0xFFFFFEF7, lr;
	s5 =	simm.s32 $0xFFFFFFFF;
	p2 =	slt.u32 s8, $0xFFFFF086  }
0x1c: {  	p1 =	slt.u32 s9, $0xF7A;
	s5 =	simm.s32 @!p2 $0x0  }
0x1d: {  	s5 =	simm.s32 @p1 $0x1;
	p0 =	seq.s32 s7, s2  }
0x1e: {  	s7 =	smul.u32 @!p0 $0xF7A, s2;
	p2 =	seq.s32 @!p0 s5, $0x0  }
0x1f: {  	s9 =	smul.u32 $0xF7A, s1;
	s8 =	simm.s32 @!p0 $0x1BF5;
	p2 =	por !p2, p0  }
0x20: {  	[sflag:s8] =	ssyncset.s32 @!p0 $0xFFFFF086;
	s6 =	sadd.s32 @!p0 s3, s7;
	s7 =	simm.s32 @!p0 $0x108  }
0x21: {  	s3 =	sadd.s32 s3, s9;
	s6 =	sadd.s32 @!p0 $0x88, s6;
	s7 =	simm.s32 @p2 $0x1082  }
0x22: {  	[simem:s7], [sflag:s8] =	dma.local @!p0 [hbm:s6], $0xF7A  }
0x23: {  	s9 =	sor.u32 $0xD0000000, s2;
	s6 =	simm.s32 $0x108;
	_ =	swait.ge @!p0 [sflag:s8], $0x0  }
0x24: {  	s3 =	sadd.s32 $0x88, s3;
	s6 =	simm.s32 @!p1 $0x1082;
	[sflag:s4] =	ssyncset.s32 $0xFFFFF086  }
0x25: {  	[simem:s6], [sflag:s4] =	dma.local [hbm:s3], $0xF7A  }
0x26: {  	[smem:$0x3F9E] =	sst s1;
	(tag) =	ssettag s2;
	_ =	strace s9  }
0x27: {  	s1 =	sld [smem:$0x3FAE]  }
0x28: {  	s2 =	sld [smem:$0x3FAF]  }
0x29: {  	s4 =	sld [smem:$0x3FB1]  }
0x2a: {  	p0 =	seq.s32 s5, $0x0;
	s5 =	sld [smem:$0x3FB2]  }
0x2b: {  	s6 =	sld [smem:$0x3FB3]  }
0x2c: {  	s7 =	sld [smem:$0x3FB4]  }
0x2d: {  	s3 =	simm.s32 $0x108;
	s8 =	sld [smem:$0x3FB5]  }
0x2e: {  	s3 =	simm.s32 @!p0 $0x1082;
	s9 =	sld [smem:$0x3FB6]  }
0x2f: {  	lr =	sadd.s32 s0, s3;
	s0 =	sld [smem:$0x3FAD]  }
0x30: {  	s3 =	sld [smem:$0x3FB0]  }
0x31: {  	[smem:$0x3FB9] =	sst s10  }
0x32: {  	s10 =	sld [smem:$0x3FB7];
	_ =	sdelay $0x3  }
0x33: {  	p0 =	seq.s32 s10, $0x1;
	s10 =	sld [smem:$0x3FB9];
	_ =	sdelay $0x3  }
0x34: {  	[smem:$0x3FB9] =	sst s10  }
0x35: {  	s10 =	sld [smem:$0x3FB8];
	_ =	sdelay $0x3  }
0x36: {  	p1 =	seq.s32 s10, $0x1;
	s10 =	sld [smem:$0x3FB9];
	_ =	sdelay $0x3  }
0x37: {  	[smem:$0x3FB9] =	sst s10  }
0x38: {  	s10 =	sld [smem:$0x3FBA]  }
0x39: {  	_ = 	snop;
	(pc) =	sbr.ind lr, $3  }
0x3a: {  	_ = 	snop  }
0x3b: {  	_ = 	snop  }
0x3c: {  	p2 =	seq.s32 s10, $0x1;
	s10 =	sld [smem:$0x3FB9]  }
0x3d: {  	_ =	shalt  }
0x3e: {  	_ =	shalt  }
0x3f: {  	_ =	shalt  }
0x40: {  	_ =	shalt  }
0x41: {  	_ =	shalt  }
0x42: {  	_ =	shalt  }
0x43: {  	_ =	shalt  }
0x44: {  	_ =	shalt  }
0x45: {  	_ =	shalt  }
0x46: {  	_ =	shalt  }
0x47: {  	_ =	shalt  }
0x48: {  	_ =	shalt  }
0x49: {  	_ =	shalt  }
0x4a: {  	_ =	shalt  }
0x4b: {  	_ =	shalt  }
0x4c: {  	_ =	shalt  }
0x4d: {  	_ =	shalt  }
0x4e: {  	_ =	shalt  }
0x4f: {  	_ =	shalt  }
0x50: {  	_ =	shalt  }
0x51: {  	_ =	shalt  }
0x52: {  	_ =	shalt  }
0x53: {  	_ =	shalt  }
0x54: {  	_ =	shalt  }
0x55: {  	_ =	shalt  }
0x56: {  	_ =	shalt  }
0x57: {  	_ =	shalt  }
0x58: {  	_ =	shalt  }
0x59: {  	_ =	shalt  }
0x5a: {  	_ =	shalt  }
0x5b: {  	_ =	shalt  }
0x5c: {  	_ =	shalt  }
0x5d: {  	_ =	shalt  }
0x5e: {  	_ =	shalt  }
0x5f: {  	_ =	shalt  }
0x60: {  	_ =	shalt  }
0x61: {  	_ =	shalt  }
0x62: {  	_ =	shalt  }
0x63: {  	_ =	shalt  }
0x64: {  	_ =	shalt  }
0x65: {  	_ =	shalt  }
0x66: {  	_ =	shalt  }
0x67: {  	_ =	shalt  }
0x68: {  	_ =	shalt  }
0x69: {  	_ =	shalt  }
0x6a: {  	_ =	shalt  }
0x6b: {  	_ =	shalt  }
0x6c: {  	_ =	shalt  }
0x6d: {  	_ =	shalt  }
0x6e: {  	_ =	shalt  }
0x6f: {  	_ =	shalt  }
0x70: {  	_ =	shalt  }
0x71: {  	_ =	shalt  }
0x72: {  	_ =	shalt  }
0x73: {  	_ =	shalt  }
0x74: {  	_ =	shalt  }
0x75: {  	_ =	shalt  }
0x76: {  	_ =	shalt  }
0x77: {  	_ =	shalt  }
0x78: {  	_ =	shalt  }
0x79: {  	_ =	shalt  }
0x7a: {  	_ =	shalt  }
0x7b: {  	_ =	shalt  }
0x7c: {  	_ =	shalt  }
0x7d: {  	_ =	shalt  }
0x7e: {  	_ =	shalt  }
0x7f: {  	_ =	shalt  }
0x80: {  	_ =	shalt  }
0x81: {  	_ =	shalt  }
0x82: {  	_ =	shalt  }
0x83: {  	_ =	shalt  }
0x84: {  	_ =	shalt  }
0x85: {  	_ =	shalt  }
0x86: {  	_ =	shalt  }
0x87: {  	_ =	shalt  }
.Lfunc_end0:
.L_simem_size_0:
called_computation_lowered:
.L_overlay_start_0:
0x88: {  	s2 =	sld [smem:$0x3FD9]  }
0x89: {  	s3 =	sld [smem:$0x3FFE];
	_ =	sdelay $0x1  }
0x8a: {  	s1 =	srdreg.scid  }
0x8b: {  	s0 =	sand.u32 $0x1, s1  }
0x8c: {  	s14 =	sshll.u32 s0, $0xA;
	s2 =	sadd.s32 s3, s2  }
0x8d: {  	s2 =	sadd.s32 s2, s14  }
0x8e: {  	[smem:$0x3FC5] =	sst s2  }
0x8f: {  	_ = 	snop  }
0x90: {  	s2 =	sld [smem:$0x3FD0];
	_ =	sdelay $0x2  }
0x91: {  	s15 =	simm.s32 $0xA;
	s4 =	simm.s32 $0x10  }
0x92: {  	[smem:s4], [sflag:s15] =	dma.local [hbm:s2], $0x1  }
0x93: {  	_ =	swait.eq [sflag:s15], $0x1  }
0x94: {  	[sflag:s15] =	ssyncset.done $0x0  }
0x95: {  	[sflag:s15] =	ssyncadd.s32 $0xFFFFFFFF  }
0x96: {  	s16 =	sld [smem:$0x15];
	(tm) =	ssettm $0x1  }
0x97: {  	s17 =	sld [smem:$0x3FFB];
	_ =	sdelay $0x3  }
0x98: {  	_ =	strace s17  }
0x99: {  	s3 =	sld [smem:$0x3FFC];
	_ =	sdelay $0x3  }
0x9a: {  	_ =	strace s3  }
0x9b: {  	s3 =	sld [smem:$0x3FFD];
	_ =	sdelay $0x3  }
0x9c: {  	_ =	strace s3  }
0x9d: {  	_ =	strace $0x8FFFFFFF  }
0x9e: {  	s18 =	sld [smem:$0x3FDB];
	_ =	sdelay $0x1  }
0x9f: {  	s19 =	simm.s32 $_scs_section_size  }
0xa0: {  	s5 =	simm.s32 $_size__tile_overlayer_lowered;
	s6 =	simm.s32 $_tile_overlayer_lowered  }
0xa1: {  	s22 =	simm.s32 $0x1BFF;
	s21 =	sshll.u32 s6, $0x1;
	s3 =	sadd.s32 s19, s18  }
0xa2: {  	s7 =	simm.s32 $0x0;
	s20 =	sshll.u32 s5, $0x1;
	s5 =	sadd.s32 s21, s3  }
0xa3: {  	[timem:s7], [sflag:s22] =	dma.local [hbm:s5], s20  }
0xa4: {  	_ =	swait.ge [sflag:s22], s20  }
0xa5: {  	s4 =	ssub.s32 $0x0, s20;
	[sflag:s22] =	ssyncset.done $0x0  }
0xa6: {  	[sflag:s22] =	ssyncadd.s32 s4;
	_ =	sdelay $0x1  }
0xa7: {  	s23 =	simm.s32 $0x1B8B  }
0xa8: {  	_ =	swait.ge [sflag:s23], $0x1  }
0xa9: {  	[sflag:s23] =	ssyncset.done $0x0  }
0xaa: {  	s25 =	simm.s32 $0x1B8E;
	s24 =	sld [smem:$0x3FFE];
	[sflag:s23] =	ssyncadd.s32 $0xFFFFFFFF  }
0xab: {  	s26 =	simm.s32 $execute0_lowered;
	[smem:$0x3FD2] =	sst s25  }
0xac: {  	s5 =	sshll.u32 s26, $0x1;
	_ =	strace $0x80000046;
	[dreg:$0x1] =	wrdreg $0xFFFFFFFF  }
0xad: {  	s28 =	simm.s32 $_size_execute0_lowered;
	s3 =	sadd.s32 s3, s5;
	[dreg:$0x0] =	wrdreg $0x0  }
0xae: {  	s5 =	sshll.u32 s28, $0x1;
	[dreg:$0x2] =	wrdreg s3  }
0xaf: {  	[dreg:$0x3] =	wrdreg s5  }
0xb0: {  	[dreg:$0x4] =	wrdreg $0xC0  }
0xb1: {  	_ =	task [dreg:s7], $0x5FFFF  }
0xb2: {  	[dreg:$0x1] =	wrdreg $0xFFFFFFFF  }
0xb3: {  	[dreg:$0x0] =	wrdreg $0x60  }
0xb4: {  	[dreg:$0x2] =	wrdreg s24  }
0xb5: {  	[dreg:$0x3] =	wrdreg s16  }
0xb6: {  	[dreg:$0x4] =	wrdreg $0x9  }
0xb7: {  	_ =	task.clear_ibuf [dreg:s7], $0x5FFFF;
	_ =	strace $0x90000046  }
0xb8: {  	s29 =	simm.s32 $0x9;
	_ =	strace $0x80000048  }
0xb9: {  	_ =	swait.ge [sflag:s29], $0x1  }
0xba: {  	[sflag:s29] =	ssyncadd.s32 $0xFFFFFFFF  }
0xbb: {  	_ =	strace $0x90000048  }
0xbc: {  	_ =	sfence  }
0xbd: {  	s30 =	sld [smem:$0x0];
	_ =	sdelay $0x2  }
0xbe: {  	s31 =	sshll.u32 s1, $0xD;
	s1 =	sshrl.u32 s1, $0x2  }
0xbf: {  	s3 =	sand.u32 $0x4000, s31;
	s1 =	sadd.s32 s1, s30  }
0xc0: {  	s0 =	sor.u32 s3, s0;
	s1 =	sshll.u32 s1, $0x11  }
0xc1: {  	s0 =	sor.u32 s1, s0  }
0xc2: {  	s0 =	sadd.s32 $0x8F2B, s0  }
0xc3: {  	[sflag:s0] =	ssyncadd.remote.s32 $0x1  }
0xc4: {  	_ =	sfence.sel $0xFFFF  }
0xc5: {  	[dreg:$0x0] =	wrdreg $0xFFFFFFFF;
	(pc) =	sbr.abs _section_cstart, $3  }
0xc6: {  	[dreg:$0x1] =	wrdreg $0xFFFFFFFF  }
0xc7: {  	_ =	task.clear_ibuf [dreg:s7], $0x2FFFF;
	_ =	strace $0x9FFFFFFF  }
0xc8: {  	(tm) =	ssettm $0x7FFFFFFF  }
0xc9: {  	_ =	shalt  }
tec
execute0_lowered:
.L_overlay_start_1:
0x0: {  	(tag) =	ssettag $0x1  }
0x1: {  	v0 =	vimm.s32 $0x10380;
	vm0 =	vcmask $0x300  }
0x2: {  	vm14 =	vcmask $0x704;
	v0 =	vsel vm0, $0x0, v0  }
0x3: {  	vm15 =	vcmask $0xB08;
	v0 =	vsel vm14, $0x80, v0  }
0x4: {  	vm4 =	vcmask $0xF0C;
	v0 =	vsel vm15, $0x100, v0  }
0x5: {  	vm5 =	vcmask $0x1310;
	v0 =	vsel vm4, $0x180, v0  }
0x6: {  	vm6 =	vcmask $0x1714;
	v0 =	vsel vm5, $0x200, v0  }
0x7: {  	s3 =	rddreg [dreg:$0x0];
	vm7 =	vcmask $0x1B18;
	v0 =	vsel vm6, $0x280, v0  }
0x8: {  	s4 =	rddreg [dreg:$0x1];
	s2 =	srdreg.scid;
	vm8 =	vcmask $0x1F1C;
	v0 =	vsel vm7, $0x300, v0  }
0x9: {  	s0 =	rddreg [dreg:$0x2];
	s1 =	stileid.u32;
	vm9 =	vcmask $0x2320;
	v0 =	vsel vm8, $0x380, v0  }
0xa: {  	vm10 =	vcmask $0x2724;
	s5 =	sand.u32 $0x1, s2;
	s2 =	simm.s32 $0x0;
	s6 =	sshll.u32 s1, $0x8;
	v0 =	vsel vm9, $0x10000, v0  }
0xb: {  	vm11 =	vcmask $0x2B28;
	s8 =	sshll.u32 s1, $0x12;
	s7 =	sshll.u32 s5, $0x7;
	[smem:$0x7FF] =	sst s2;
	v0 =	vsel vm10, $0x10080, v0  }
0xc: {  	vm12 =	vcmask $0x2F2C;
	s29 =	ssub.s32 $0x2, s5;
	s31 =	sadd.s32 s8, s4;
	s5 =	sshll.u32 s5, $0x11;
	v0 =	vsel vm11, $0x10100, v0  }
0xd: {  	vm13 =	vcmask $0x3330;
	s8 =	simm.s32 $0x0;
	s6 =	sor.u32 s7, s6;
	_ =	strace $0x80000047;
	v0 =	vsel vm12, $0x10180, v0  }
0xe: {  	vm14 =	vcmask $0x3734;
	s30 =	sshrl.u32 s29, $0x1;
	s5 =	sadd.s32 s5, s31;
	s6 =	sshrl.u32 s6, $0x3;
	v0 =	vsel vm13, $0x10200, v0  }
0xf: {  	vm15 =	vcmask $0x3B38;
	s7 =	simm.s32 $0x1;
	s3 =	sadd.s32 s6, s3;
	s6 =	ssub.s32 s29, s30;
	v1 =	vsel vm14, $0x10280, v0  }
0x10: {  	v2 =	vimm.f32 $1.000000000e+00;
	s3 =	sadd.s32 $0x2600, s3;
	s4 =	smax.u32 s6, $0x1;
	s6 =	simm.s32 $0x10000;
	v0 =	vimm.f32 $0.0e+00;
	v1 =	vsel vm15, $0x10300, v1  }
.LBB2_1:
0x11: {  	[tilespmem:s6], [sflag:$0x1] =	stream.linear.gather [hbm4b:s3+s2], $0x80, $0x38;
	[tilespmem:$0x10100] =	vst v63  }
0x12: {  	_ =	swait.ge [sflag:s7], $0x80  }
0x13: {  	s9 =	sand.u32 $0x70, s2;
	s10 =	sand.u32 $0xFC00, s2;
	[sflag:s7] =	ssyncset.done $0x0  }
0x14: {  	s9 =	sor.u32 s9, s10;
	[sflag:s7] =	ssyncadd.s32 $0xFFFFFF80  }
0x15: {  	s11 =	simm.s32 $0x0;
	s10 =	simm.s32 $0x10;
	[tilespmem:s9+$0x0] =	vst v0  }
.LBB2_2:
0x16: {  	p0 =	sne.s32 s10, $0x1FF0  }
.Ltmp0:
0x17: {  	_ = 	snop;
	(pc) =	sbr.rel @p0 .LBB2_2-.Ltmp0, $4  }
0x18: {  	s11 =	sadd.s32 $0x80, s11  }
0x19: {  	s9 =	sand.u32 $0x70, s10;
	s12 =	sand.u32 $0xFC00, s11  }
0x1a: {  	s9 =	sor.u32 s9, s12  }
0x1b: {  	s10 =	sadd.s32 $0x10, s10;
	[tilespmem:s9+$0x0] =	vst v0;
	s9 =	simm.s32 $0x0  }
0x1c: {  	s10 =	sand.u32 $0x70, s9;
	s11 =	sand.u32 $0xFC00, s9  }
0x1d: {  	s10 =	sor.u32 s10, s11  }
0x1e: {  	s12 =	simm.s32 $0x0;
	s11 =	simm.s32 $0x10;
	[tilespmem:s10+$0x80] =	vst v0  }
.LBB2_4:
0x1f: {  	p0 =	sne.s32 s11, $0x1FF0  }
.Ltmp1:
0x20: {  	_ = 	snop;
	(pc) =	sbr.rel @p0 .LBB2_4-.Ltmp1, $4  }
0x21: {  	s12 =	sadd.s32 $0x80, s12  }
0x22: {  	s13 =	sand.u32 $0x70, s11;
	s14 =	sand.u32 $0xFC00, s12  }
0x23: {  	s13 =	sor.u32 s13, s14  }
0x24: {  	s11 =	sadd.s32 $0x10, s11;
	[tilespmem:s13+$0x80] =	vst v0  }
0x25: {  	s11 =	simm.s32 $0x10;
	[tilespmem:s10+$0x100] =	vst v0  }
.LBB2_6:
0x26: {  	p0 =	sne.s32 s11, $0x1FF0  }
.Ltmp2:
0x27: {  	_ = 	snop;
	(pc) =	sbr.rel @p0 .LBB2_6-.Ltmp2, $4  }
0x28: {  	s9 =	sadd.s32 $0x80, s9  }
0x29: {  	s10 =	sand.u32 $0x70, s11;
	s12 =	sand.u32 $0xFC00, s9  }
0x2a: {  	s10 =	sor.u32 s10, s12  }
0x2b: {  	s11 =	sadd.s32 $0x10, s11;
	[tilespmem:s10+$0x100] =	vst v0;
	s10 =	simm.s32 $0x0  }
0x2c: {  	s9 =	sand.u32 $0x70, s10;
	s11 =	sand.u32 $0xFC00, s10  }
0x2d: {  	s9 =	sor.u32 s9, s11  }
0x2e: {  	s12 =	simm.s32 $0x0;
	s11 =	simm.s32 $0x10;
	[tilespmem:s9+$0x180] =	vst v0  }
.LBB2_8:
0x2f: {  	p0 =	sne.s32 s11, $0x1FF0  }
.Ltmp3:
0x30: {  	_ = 	snop;
	(pc) =	sbr.rel @p0 .LBB2_8-.Ltmp3, $4  }
0x31: {  	s12 =	sadd.s32 $0x80, s12  }
0x32: {  	s13 =	sand.u32 $0x70, s11;
	s14 =	sand.u32 $0xFC00, s12  }
0x33: {  	s13 =	sor.u32 s13, s14  }
0x34: {  	s11 =	sadd.s32 $0x10, s11;
	[tilespmem:s13+$0x180] =	vst v0  }
0x35: {  	s11 =	simm.s32 $0x10;
	[tilespmem:s9+$0x200] =	vst v0  }
.LBB2_10:
0x36: {  	p0 =	sne.s32 s11, $0x1FF0  }
.Ltmp4:
0x37: {  	_ = 	snop;
	(pc) =	sbr.rel @p0 .LBB2_10-.Ltmp4, $4  }
0x38: {  	s10 =	sadd.s32 $0x80, s10  }
0x39: {  	s9 =	sand.u32 $0x70, s11;
	s12 =	sand.u32 $0xFC00, s10  }
0x3a: {  	s9 =	sor.u32 s9, s12  }
0x3b: {  	s11 =	sadd.s32 $0x10, s11;
	[tilespmem:s9+$0x200] =	vst v0;
	s9 =	simm.s32 $0x0  }
0x3c: {  	s10 =	sand.u32 $0x70, s9;
	s11 =	sand.u32 $0xFC00, s9  }
0x3d: {  	s10 =	sor.u32 s10, s11  }
0x3e: {  	s12 =	simm.s32 $0x0;
	s11 =	simm.s32 $0x10;
	[tilespmem:s10+$0x280] =	vst v0  }
.LBB2_12:
0x3f: {  	p0 =	sne.s32 s11, $0x1FF0  }
.Ltmp5:
0x40: {  	_ = 	snop;
	(pc) =	sbr.rel @p0 .LBB2_12-.Ltmp5, $4  }
0x41: {  	s12 =	sadd.s32 $0x80, s12  }
0x42: {  	s13 =	sand.u32 $0x70, s11;
	s14 =	sand.u32 $0xFC00, s12  }
0x43: {  	s13 =	sor.u32 s13, s14  }
0x44: {  	s11 =	sadd.s32 $0x10, s11;
	[tilespmem:s13+$0x280] =	vst v0  }
0x45: {  	s11 =	simm.s32 $0x10;
	[tilespmem:s10+$0x300] =	vst v0  }
.LBB2_14:
0x46: {  	p0 =	sne.s32 s11, $0x1FF0  }
.Ltmp6:
0x47: {  	_ = 	snop;
	(pc) =	sbr.rel @p0 .LBB2_14-.Ltmp6, $4  }
0x48: {  	s9 =	sadd.s32 $0x80, s9  }
0x49: {  	s10 =	sand.u32 $0x70, s11;
	s12 =	sand.u32 $0xFC00, s9  }
0x4a: {  	s10 =	sor.u32 s10, s12  }
0x4b: {  	s11 =	sadd.s32 $0x10, s11;
	[tilespmem:s10+$0x300] =	vst v0;
	s10 =	simm.s32 $0x0  }
0x4c: {  	s9 =	sand.u32 $0x7, s10  }
0x4d: {  	s9 =	sshll.u32 s9, $0x4  }
0x4e: {  	s9 =	sadd.s32 $0x0, s9  }
0x4f: {  	s11 =	sor.u32 $0x380, s9  }
0x50: {  	s9 =	simm.s32 $0x10;
	[tilespmem:s11+$0x0] =	vst v0;
	s11 =	simm.s32 $0x1  }
.LBB2_16:
0x51: {  	s12 =	sand.u32 $0x7, s11;
	p0 =	sne.s32 s9, $0x1FF0;
	s9 =	sadd.s32 $0x10, s9  }
.Ltmp7:
0x52: {  	s10 =	sadd.s32 $0x80, s10;
	s12 =	sshll.u32 s12, $0x4;
	(pc) =	sbr.rel @p0 .LBB2_16-.Ltmp7, $4  }
0x53: {  	s12 =	sadd.s32 s12, s10  }
0x54: {  	s12 =	sor.u32 $0x380, s12  }
0x55: {  	[tilespmem:s12+$0x0] =	vst v0  }
0x56: {  	s11 =	sadd.s32 $0x1, s11  }
0x57: {  	s9 =	simm.s32 $0x0  }
0x58: {  	v3 =	vld [tilespmem:s9+$0x10000];
	_ =	sdelay $0x4  }
0x59: {  	v4 =	vshll.u32 v3, $0x3  }
0x5a: {  	v3 =	vand.u32 $0x7F, v3;
	v4 =	vand.u32 $0xFFFFFC00, v4  }
0x5b: {  	v3 =	vor.u32 v3, v4  }
0x5c: {  	v3 =	vadd.s32 v1, v3;
	_ =	sdelay $0x4  }
0x5d: {  	[tilespmem:v3+s2+$0x0] =	vst.idx.msk $0xff, v2  }
0x5e: {  	[hbm4b:s5+s2] =	stream.linear.scatter [tilespmem:s2], [sflag:$0x1], $0x10000, $0x38;
	[tilespmem:$0x10100] =	vst v63  }
0x5f: {  	_ =	swait.ge [sflag:s7], $0x10000  }
0x60: {  	s10 =	simm.s32 $0x20;
	[sflag:s7] =	ssyncset.done $0x0  }
0x61: {  	s11 =	simm.s32 $0x40;
	s9 =	smov.u32 s5;
	[sflag:s7] =	ssyncadd.s32 $0xFFFF0000  }
.LBB2_18:
0x62: {  	s12 =	sshra.s32 s10, $0x2  }
0x63: {  	[tilespmem:v3+s2+$0x0] =	vst.idx.msk $0xff, v0;
	s9 =	sadd.s32 $0x2000, s9;
	s10 =	smov.u32 s11;
	s13 =	sadd.s32 $0x20, s11  }
0x64: {  	p0 =	sne.s32 s11, $0x1E0;
	v3 =	vld [tilespmem:s12+$0x10000];
	_ =	sdelay $0x4  }
0x65: {  	v4 =	vshll.u32 v3, $0x3  }
0x66: {  	v3 =	vand.u32 $0x7F, v3;
	v4 =	vand.u32 $0xFFFFFC00, v4  }
0x67: {  	v3 =	vor.u32 v3, v4  }
0x68: {  	v3 =	vadd.s32 v1, v3;
	_ =	sdelay $0x4  }
.Ltmp8:
0x69: {  	[tilespmem:v3+s2+$0x0] =	vst.idx.msk $0xff, v2;
	(pc) =	sbr.rel @p0 .LBB2_18-.Ltmp8, $4  }
0x6a: {  	[hbm4b:s9+s2] =	stream.linear.scatter [tilespmem:s2], [sflag:$0x1], $0x10000, $0x38;
	[tilespmem:$0x10100] =	vst v63  }
0x6b: {  	_ =	swait.ge [sflag:s7], $0x10000  }
0x6c: {  	[sflag:s7] =	ssyncset.done $0x0  }
0x6d: {  	s11 =	smov.u32 s13;
	[sflag:s7] =	ssyncadd.s32 $0xFFFF0000  }
0x6e: {  	_ =	sdelay $0x3  }
0x6f: {  	s10 =	sshra.s32 s10, $0x2;
	[tilespmem:v3+s2+$0x0] =	vst.idx.msk $0xff, v0  }
0x70: {  	v3 =	vld [tilespmem:s10+$0x10000];
	_ =	sdelay $0x4  }
0x71: {  	v4 =	vshll.u32 v3, $0x3  }
0x72: {  	v3 =	vand.u32 $0x7F, v3;
	v4 =	vand.u32 $0xFFFFFC00, v4  }
0x73: {  	v3 =	vor.u32 v3, v4  }
0x74: {  	v3 =	vadd.s32 v1, v3;
	_ =	sdelay $0x3  }
0x75: {  	s8 =	sadd.s32 $0x1, s8  }
0x76: {  	s9 =	sadd.s32 $0x2000, s9;
	p0 =	sne.s32 s8, s4;
	[tilespmem:v3+s2+$0x0] =	vst.idx.msk $0xff, v2  }
0x77: {  	[hbm4b:s9+s2] =	stream.linear.scatter [tilespmem:s2], [sflag:$0x1], $0x10000, $0x38;
	[tilespmem:$0x10100] =	vst v63  }
.Ltmp9:
0x78: {  	_ = 	snop;
	(pc) =	sbr.rel @p0 .LBB2_1-.Ltmp9, $4  }
0x79: {  	_ =	swait.ge [sflag:s7], $0x10000  }
0x7a: {  	[sflag:s7] =	ssyncset.done $0x0  }
0x7b: {  	[sflag:s7] =	ssyncadd.s32 $0xFFFF0000  }
0x7c: {  	[tilespmem:v3+s2+$0x0] =	vst.idx.msk $0xff, v0  }
0x7d: {  	_ =	sfence.sel $0x180000  }
0x7e: {  	[bflag:$0x0] =	sbarrier.arrive $0xFFFF  }
0x7f: {  	p0 =	sne.s32 s1, $0x0;
	_ =	strace $0x90000047  }
0x80: {  	s0 =	sadd.s32 @!p0 $0x100000, s0;
	[bflag:$0x2] =	sbarrier.arrive $0xFFFF  }
0x81: {  	[sflag:s0] =	ssyncadd.tile.s32 @!p0 $0x1;
	_ =	shalt  }
.Lfunc_end2:
_tile_overlayer_lowered:
.L_overlay_start_2:
0x82: {  	(tag) =	ssettag $0x2  }
0x83: {  	s0 =	rddreg [dreg:$0x0];
	s2 =	stileid.u32  }
0x84: {  	s1 =	rddreg [dreg:$0x1];
	p0 =	sne.s32 s2, $0x0  }
0x85: {  	s3 =	rddreg [dreg:$0x2];
	[bflag:$0x3] =	sbarrier.arrive $0xFFFF;
	s2 =	simm.s32 @!p0 $0x1C01  }
0x86: {  	[timem:s3], [sflag:s2] =	dma.local @!p0 [hbm:s0], s1  }
0x87: {  	s0 =	simm.s32 @!p0 $0x1  }
0x88: {  	_ =	swait.ge @!p0 [sflag:s0], s1  }
0x89: {  	s1 =	ssub.s32 @!p0 $0x0, s1;
	[sflag:s0] =	ssyncset.done @!p0 $0x0  }
0x8a: {  	[sflag:s0] =	ssyncadd.s32 @!p0 s1  }
0x8b: {  	[bflag:$0x3] =	sbarrier.arrive $0xFFFF  }
0x8c: {  	_ =	shalt  }

</sc_bundles>
